<compile_context>
chip_gen: v7x
topology: tpu7x:2x2x1
jax: 0.10.2.dev20260603
libtpu: 0.0.44.dev20260713+nightly
codegen_flags: <defaults>
</compile_context>

<pallas_src>
import functools

import jax
import jax.numpy as jnp
from jax import lax
from jax.experimental import pallas as pl
from jax.experimental.pallas import tpu as pltpu
from jax.experimental.pallas import tpu_sc as plsc

N = 10000
E = 320000
D = 128
NC = 2
NS = 16
L = 16
NW = NC * NS

GROUP = 128
G0 = 144
G1 = 16
G = (G0 + G1) // 2
IC = 16
NBUF = 2
GROUP_D = 128
G_D = 80
E_PAD = NW * G * GROUP
TRASH = N
ROWS_PER_SUB = 640
NPAD = NS * ROWS_PER_SUB
DEG_W = 128
ZROWS = 32

_mesh = plsc.VectorSubcoreMesh(core_axis_name="c", subcore_axis_name="s")


@functools.partial(
    pl.kernel,
    out_type=jax.ShapeDtypeStruct((NC, NPAD, DEG_W), jnp.float32),
    mesh=_mesh,
    scratch_types=[
        pltpu.VMEM((G_D, GROUP_D), jnp.int32),
        pltpu.VMEM((ZROWS, DEG_W), jnp.float32),
        pltpu.VMEM((GROUP_D, DEG_W), jnp.float32),
        pltpu.VMEM_SHARED((NPAD, DEG_W), jnp.float32),
        pltpu.SemaphoreType.DMA,
    ],
)
def _deg_kernel(dst_hbm, out_hbm, idx_v, zeros_v, ones_v, accum, sem):
    c = lax.axis_index("c")
    s = lax.axis_index("s")
    wid = s * NC + c

    @pl.loop(0, ZROWS)
    def _(i):
        @pl.loop(0, DEG_W, step=L)
        def _(jj):
            zeros_v[i, pl.ds(jj, L)] = jnp.zeros((L,), dtype=jnp.float32)

    @pl.loop(0, GROUP_D)
    def _(i):
        @pl.loop(0, DEG_W, step=L)
        def _(jj):
            ones_v[i, pl.ds(jj, L)] = jnp.full((L,), 1.0, dtype=jnp.float32)

    base = s * ROWS_PER_SUB

    @pl.loop(0, ROWS_PER_SUB, step=ZROWS)
    def _(r):
        pltpu.sync_copy(zeros_v, accum.at[pl.ds(base + r, ZROWS)])

    plsc.subcore_barrier()

    pltpu.sync_copy(dst_hbm.at[wid], idx_v)

    @pl.loop(0, G_D)
    def _(j):
        pltpu.sync_copy(ones_v, accum.at[idx_v.at[j]], add=True)

    plsc.subcore_barrier()

    pltpu.sync_copy(
        accum.at[pl.ds(base, ROWS_PER_SUB)],
        out_hbm.at[c, pl.ds(base, ROWS_PER_SUB)],
    )


@functools.partial(
    pl.kernel,
    out_type=jax.ShapeDtypeStruct((NC, NPAD, D), jnp.float32),
    mesh=_mesh,
    scratch_types=(
        [
            pltpu.VMEM((IC, GROUP), jnp.int32),
            pltpu.VMEM((IC, GROUP), jnp.int32),
        ]
        + [pltpu.VMEM((GROUP, D), jnp.float32)] * NBUF
        + [pltpu.VMEM_SHARED((NPAD, D), jnp.float32)]
        + [pltpu.SemaphoreType.DMA] * (2 * NBUF)
    ),
)
def _agg_kernel(y_hbm, src0_hbm, dst0_hbm, src1_hbm, dst1_hbm, out_hbm,
                src_v, dst_v, *rest):
    bufs = rest[:NBUF]
    accum = rest[NBUF]
    gsems = rest[NBUF + 1:2 * NBUF + 1]
    ssems = rest[2 * NBUF + 1:]
    c = lax.axis_index("c")
    s = lax.axis_index("s")
    base = s * ROWS_PER_SUB

    b0 = bufs[0]

    @pl.loop(0, GROUP)
    def _(i):
        @pl.loop(0, D, step=L)
        def _(jj):
            b0[i, pl.ds(jj, L)] = jnp.zeros((L,), dtype=jnp.float32)

    @pl.loop(0, ROWS_PER_SUB, step=GROUP)
    def _(r):
        pltpu.sync_copy(b0, accum.at[pl.ds(base + r, GROUP)])

    plsc.subcore_barrier()

    def _main(src_hbm, dst_hbm, gc):
        @pl.loop(0, gc, step=IC)
        def _(cb):
            pltpu.sync_copy(src_hbm.at[s, pl.ds(cb, IC)], src_v)
            pltpu.sync_copy(dst_hbm.at[s, pl.ds(cb, IC)], dst_v)

            for b in range(NBUF):
                pltpu.async_copy(y_hbm.at[src_v.at[b]], bufs[b], gsems[b])

            @pl.loop(0, IC - NBUF, step=NBUF)
            def _(kb):
                scats = []
                for b in range(NBUF):
                    pltpu.make_async_copy(
                        y_hbm.at[src_v.at[0]], bufs[b], gsems[b]).wait()
                    scats.append(pltpu.async_copy(
                        bufs[b], accum.at[dst_v.at[kb + b]], ssems[b],
                        add=True))
                for b in range(NBUF):
                    scats[b].wait()
                    pltpu.async_copy(
                        y_hbm.at[src_v.at[kb + NBUF + b]], bufs[b], gsems[b])

            for b in range(NBUF):
                pltpu.make_async_copy(
                    y_hbm.at[src_v.at[0]], bufs[b], gsems[b]).wait()
                pltpu.sync_copy(
                    bufs[b], accum.at[dst_v.at[IC - NBUF + b]], add=True)

    if G0 > 0:
        @pl.when(c == 0)
        def _():
            _main(src0_hbm, dst0_hbm, G0)
    if G1 > 0:
        @pl.when(c == 1)
        def _():
            _main(src1_hbm, dst1_hbm, G1)

    plsc.subcore_barrier()

    @pl.loop(0, ROWS_PER_SUB, step=GROUP)
    def _(r):
        pltpu.sync_copy(
            accum.at[pl.ds(base + r, GROUP)],
            out_hbm.at[c, pl.ds(base + r, GROUP)],
        )



_RB = 400


def _mm_body(x_ref, w_ref, z_ref):
    z_ref[...] = jnp.dot(x_ref[...], w_ref[...],
                         preferred_element_type=jnp.float32)


def _mm_call(x, w):
    grid = (N // _RB,)
    return pl.pallas_call(
        _mm_body,
        grid=grid,
        in_specs=[
            pl.BlockSpec((_RB, D), lambda i: (i, 0)),
            pl.BlockSpec((D, D), lambda i: (0, 0)),
        ],
        out_specs=pl.BlockSpec((_RB, D), lambda i: (i, 0)),
        out_shape=jax.ShapeDtypeStruct((N, D), jnp.float32),
    )(x, w)


def _scale_body(x_ref, w_ref, p0_ref, p1_ref, y_ref):
    deg = p0_ref[0, :, :1] + p1_ref[0, :, :1] + 1.0
    dis = lax.rsqrt(deg)
    acc = jnp.dot(x_ref[...], w_ref[...], preferred_element_type=jnp.float32)
    y_ref[...] = acc * dis


def _scale_call(x, w, degp):
    grid = (N // _RB,)
    return pl.pallas_call(
        _scale_body,
        grid=grid,
        in_specs=[
            pl.BlockSpec((_RB, D), lambda i: (i, 0)),
            pl.BlockSpec((D, D), lambda i: (0, 0)),
            pl.BlockSpec((1, _RB, DEG_W), lambda i: (0, i, 0)),
            pl.BlockSpec((1, _RB, DEG_W), lambda i: (1, i, 0)),
        ],
        out_specs=pl.BlockSpec((_RB, D), lambda i: (i, 0)),
        out_shape=jax.ShapeDtypeStruct((N, D), jnp.float32),
    )(x, w, degp, degp)


def _out_body(pp0_ref, pp1_ref, y_ref, p0_ref, p1_ref, b_ref, o_ref):
    deg = p0_ref[0, :, :1] + p1_ref[0, :, :1] + 1.0
    dis = lax.rsqrt(deg)
    acc = pp0_ref[0] + pp1_ref[0] + y_ref[...]
    o_ref[...] = acc * dis + b_ref[...]


def _out_call(pp, y, degp, b2):
    grid = (N // _RB,)
    return pl.pallas_call(
        _out_body,
        grid=grid,
        in_specs=[
            pl.BlockSpec((1, _RB, D), lambda i: (0, i, 0)),
            pl.BlockSpec((1, _RB, D), lambda i: (1, i, 0)),
            pl.BlockSpec((_RB, D), lambda i: (i, 0)),
            pl.BlockSpec((1, _RB, DEG_W), lambda i: (0, i, 0)),
            pl.BlockSpec((1, _RB, DEG_W), lambda i: (1, i, 0)),
            pl.BlockSpec((1, D), lambda i: (0, 0)),
        ],
        out_specs=pl.BlockSpec((_RB, D), lambda i: (i, 0)),
        out_shape=jax.ShapeDtypeStruct((N, D), jnp.float32),
    )(pp, pp, y, degp, degp, b2)


def kernel(x, edge_index, W, b):
    src = edge_index[0].astype(jnp.int32)
    dst = edge_index[1].astype(jnp.int32)
    pad = E_PAD - E
    src_p = jnp.concatenate([src, jnp.zeros((pad,), jnp.int32)])
    dst_p = jnp.concatenate([dst, jnp.full((pad,), TRASH, jnp.int32)])
    dst_rd = dst_p.reshape(NW, G_D, GROUP_D)
    n0 = NS * G0 * GROUP
    src0 = src_p[:n0].reshape(NS, max(G0, 1), GROUP) if G0 else None
    dst0 = dst_p[:n0].reshape(NS, max(G0, 1), GROUP) if G0 else None
    src1 = src_p[n0:].reshape(NS, max(G1, 1), GROUP) if G1 else None
    dst1 = dst_p[n0:].reshape(NS, max(G1, 1), GROUP) if G1 else None
    if src0 is None:
        src0, dst0 = src1, dst1
    if src1 is None:
        src1, dst1 = src0, dst0

    degp = _deg_kernel(dst_rd)
    y = _scale_call(x, W, degp)
    pp = _agg_kernel(y, src0, dst0, src1, dst1)
    out = _out_call(pp, y, degp, b.reshape(1, D))
    return out

# --- scband reference (transcript-rebuilt; emitter-appended) ---
"""Pipeline reference for scband-gcnconv-5059471475170 (READ-ONLY COPY).

The authoritative reference and input builder live on the scoring server;
editing this copy changes nothing except your own understanding.
"""

import jax, jax.numpy as jnp
import numpy as np

N_NODES = 10000
N_EDGES = 320000
D_IN = 128
D_OUT = 128


def setup_inputs(seed: int = 0) -> dict:
    key = jax.random.key(seed)
    k1, k2, k3, k4 = jax.random.split(key, 4)
    x = jax.random.normal(k1, (N_NODES, D_IN), dtype=jnp.float32)
    edge_index = jax.random.randint(k2, (2, N_EDGES), 0, N_NODES, dtype=jnp.int64)
    # Glorot-style init for the GCN linear weight, plus bias (homogeneous_flag=False -> bias=True)
    limit = float(np.sqrt(6.0 / (D_IN + D_OUT)))
    W = jax.random.uniform(k3, (D_IN, D_OUT), dtype=jnp.float32, minval=-limit, maxval=limit)
    b = jnp.zeros((D_OUT,), dtype=jnp.float32)
    return {"x": x, "edge_index": edge_index, "W": W, "b": b}


def reference(x, edge_index, W, b):
    # Standard GCNConv (Kipf & Welling): linear transform, add self-loops,
    # symmetric degree normalization, scatter-add aggregation over dst nodes.
    n = x.shape[0]
    x_lin = x @ W
    src = edge_index[0]
    dst = edge_index[1]
    # add self-loops
    loop = jnp.arange(n, dtype=src.dtype)
    src = jnp.concatenate([src, loop], axis=0)
    dst = jnp.concatenate([dst, loop], axis=0)
    # degree computed on destination nodes (in-degree with self-loops)
    ones = jnp.ones_like(dst, dtype=x_lin.dtype)
    deg = jax.ops.segment_sum(ones, dst, num_segments=n)
    deg_inv_sqrt = jnp.where(deg > 0, jax.lax.rsqrt(jnp.maximum(deg, 1e-12)), 0.0)
    norm = deg_inv_sqrt[src] * deg_inv_sqrt[dst]
    # gather, scale, scatter-add
    messages = x_lin[src] * norm[:, None]
    out = jax.ops.segment_sum(messages, dst, num_segments=n)
    out = out + b
    return out

if __name__ == "__main__":
    import jax
    _d = setup_inputs()
    print(jax.jit(kernel)(*tuple(_d.values())))

</pallas_src>

<mosaic_0001>
#map = affine_map<(d0, d1) -> (0, 0)>
#map1 = affine_map<(d0, d1) -> (0, 0, 0)>
module attributes {stable_mosaic.version = 14 : i64} {
  func.func @_agg_kernel(%arg0: i32, %arg1: i32, %arg2: memref<10000x128xf32, #tpu.memory_space<hbm>>, %arg3: memref<16x144x128xi32, #tpu.memory_space<hbm>>, %arg4: memref<16x144x128xi32, #tpu.memory_space<hbm>>, %arg5: memref<16x16x128xi32, #tpu.memory_space<hbm>>, %arg6: memref<16x16x128xi32, #tpu.memory_space<hbm>>, %arg7: memref<2x10240x128xf32, #tpu.memory_space<hbm>>, %arg8: memref<16x128xi32, #tpu.memory_space<vmem>>, %arg9: memref<16x128xi32, #tpu.memory_space<vmem>>, %arg10: memref<128x128xf32, #tpu.memory_space<vmem>>, %arg11: memref<128x128xf32, #tpu.memory_space<vmem>>, %arg12: memref<10240x128xf32, #tpu.memory_space<vmem_shared>>, %arg13: memref<!tpu.dma_semaphore, #tpu.memory_space<semaphore_mem>>, %arg14: memref<!tpu.dma_semaphore, #tpu.memory_space<semaphore_mem>>, %arg15: memref<!tpu.dma_semaphore, #tpu.memory_space<semaphore_mem>>, %arg16: memref<!tpu.dma_semaphore, #tpu.memory_space<semaphore_mem>>) attributes {dimension_semantics = [#tpu.dimension_semantics<core_parallel>, #tpu.dimension_semantics<subcore_parallel>], iteration_bounds = array<i64: 2, 16>, scalar_prefetch = 0 : i64, scratch_operands = 9 : i64, tpu.core_type = #tpu.core_type<sc_vector_subcore>, window_params = [{transform_indices = #map}, {transform_indices = #map1}, {transform_indices = #map1}, {transform_indices = #map1}, {transform_indices = #map1}, {transform_indices = #map1}]} {
    %mul3A = arith.constant 640 : i32
    %mul3A_0 = arith.muli %arg1, %mul3A : i32
    %scan3A = arith.constant 0 : i32
    %scan3A_1 = arith.constant 128 : i32
    %scan3A_2 = arith.addi %scan3A, %scan3A_1 : i32
    %scan3A_3 = arith.constant 1 : i32
    scf.for %scan3A_23 = %scan3A to %scan3A_2 step %scan3A_3  : i32 {
      %mul3A_24 = arith.constant 1 : i32
      %mul3A_25 = arith.muli %scan3A_23, %mul3A_24 : i32
      %add3A = arith.constant 0 : i32
      %add3A_26 = arith.addi %add3A, %mul3A_25 : i32
      %scan3A_27 = arith.constant 0 : i32
      %scan3A_28 = arith.constant 8 : i32
      %scan3A_29 = arith.addi %scan3A_27, %scan3A_28 : i32
      %scan3A_30 = arith.constant 1 : i32
      scf.for %scan3A_32 = %scan3A_27 to %scan3A_29 step %scan3A_30  : i32 {
        %mul3A_33 = arith.constant 16 : i32
        %mul3A_34 = arith.muli %scan3A_32, %mul3A_33 : i32
        %add3A_35 = arith.constant 0 : i32
        %add3A_36 = arith.addi %add3A_35, %mul3A_34 : i32
        %broadcast_in_dim3A = arith.constant 0.000000e+00 : f32
        %broadcast_in_dim3A_37 = vector.broadcast %broadcast_in_dim3A : f32 to vector<16xf32>
        %swap3A = arith.index_cast %add3A_26 : i32 to index
        %swap3A_38 = arith.index_cast %add3A_36 : i32 to index
        %swap3A_39 = tpu.vector_load %arg10[%swap3A, %swap3A_38] {strides = array<i32>} : memref<128x128xf32, #tpu.memory_space<vmem>>, vector<1x16xf32>,
        %swap3A_40 = vector.shape_cast %swap3A_39 : vector<1x16xf32> to vector<16xf32>
        %swap3A_41 = vector.shape_cast %broadcast_in_dim3A_37 : vector<16xf32> to vector<1x16xf32>
        tpu.vector_store %arg10[%swap3A, %swap3A_38], %swap3A_41 {strides = array<i32>} : memref<128x128xf32, #tpu.memory_space<vmem>>, vector<1x16xf32>,
      }
      %scan3A_31 = arith.constant 8 : i32
    }
    %scan3A_4 = arith.constant 128 : i32
    %scan3A_5 = arith.constant 0 : i32
    %scan3A_6 = arith.constant 5 : i32
    %scan3A_7 = arith.addi %scan3A_5, %scan3A_6 : i32
    %scan3A_8 = arith.constant 1 : i32
    scf.for %scan3A_23 = %scan3A_5 to %scan3A_7 step %scan3A_8  : i32 {
      %mul3A_24 = arith.constant 128 : i32
      %mul3A_25 = arith.muli %scan3A_23, %mul3A_24 : i32
      %add3A = arith.constant 0 : i32
      %add3A_26 = arith.addi %add3A, %mul3A_25 : i32
      %add3A_27 = arith.addi %mul3A_0, %add3A_26 : i32
      "tpu.region"() ({
        %run_scoped3A = tpu.sem_alloc : memref<!tpu.dma_semaphore, #tpu.memory_space<semaphore_mem>>
        %dma_start3A = arith.constant 0 : i32
        %dma_start3A_28 = tpu.memref_slice %arg12[%add3A_27, %dma_start3A] : memref<10240x128xf32, #tpu.memory_space<vmem_shared>> -> memref<128x128xf32, #tpu.memory_space<vmem_shared>>
        %dma_start3A_29 = arith.constant 0 : i32
        %dma_start3A_30 = tpu.memref_slice %arg12[%add3A_27, %dma_start3A_29] : memref<10240x128xf32, #tpu.memory_space<vmem_shared>> -> memref<128x128xf32, #tpu.memory_space<vmem_shared>>
        tpu.enqueue_dma source(%arg10 : memref<128x128xf32, #tpu.memory_space<vmem>>) target(%dma_start3A_30 : memref<128x128xf32, #tpu.memory_space<vmem_shared>>) target_semaphore(%run_scoped3A : memref<!tpu.dma_semaphore, #tpu.memory_space<semaphore_mem>>)
        %dma_wait3A = arith.constant 0 : i32
        %dma_wait3A_31 = tpu.memref_slice %arg12[%add3A_27, %dma_wait3A] : memref<10240x128xf32, #tpu.memory_space<vmem_shared>> -> memref<128x128xf32, #tpu.memory_space<vmem_shared>>
        %dma_wait3A_32 = arith.constant 0 : i32
        %dma_wait3A_33 = tpu.memref_slice %arg12[%add3A_27, %dma_wait3A_32] : memref<10240x128xf32, #tpu.memory_space<vmem_shared>> -> memref<128x128xf32, #tpu.memory_space<vmem_shared>>
        tpu.wait_dma2 semaphore(%run_scoped3A : memref<!tpu.dma_semaphore, #tpu.memory_space<semaphore_mem>>) src(%arg10 : memref<128x128xf32, #tpu.memory_space<vmem>>) dst(%dma_wait3A_33 : memref<128x128xf32, #tpu.memory_space<vmem_shared>>)
        tpu.yield
      }) : () -> ()
    }
    %scan3A_9 = arith.constant 5 : i32
    %barrier3A = arith.constant 0 : index
    tpu.barrier barrier_id(%barrier3A)
    %eq3A = arith.constant 0 : i32
    %eq3A_10 = arith.cmpi eq, %arg0, %eq3A : i32
    %convert_element_type3A = arith.extui %eq3A_10 : i1 to i32
    %cond3A = arith.constant 0 : i32
    %cond3A_11 = arith.cmpi ne, %convert_element_type3A, %cond3A : i32
    scf.if %cond3A_11 {
      %scan3A_23 = arith.constant 0 : i32
      %scan3A_24 = arith.constant 9 : i32
      %scan3A_25 = arith.addi %scan3A_23, %scan3A_24 : i32
      %scan3A_26 = arith.constant 1 : i32
      scf.for %scan3A_28 = %scan3A_23 to %scan3A_25 step %scan3A_26  : i32 {
        %mul3A_29 = arith.constant 16 : i32
        %mul3A_30 = arith.muli %scan3A_28, %mul3A_29 : i32
        %add3A = arith.constant 0 : i32
        %add3A_31 = arith.addi %add3A, %mul3A_30 : i32
        "tpu.region"() ({
          %run_scoped3A_64 = tpu.sem_alloc : memref<!tpu.dma_semaphore, #tpu.memory_space<semaphore_mem>>
          %dma_start3A_65 = arith.constant 0 : i32
          %dma_start3A_66 = tpu.memref_slice %arg3[%arg1, %add3A_31, %dma_start3A_65] : memref<16x144x128xi32, #tpu.memory_space<hbm>> -> memref<1x16x128xi32, #tpu.memory_space<hbm>>
          %dma_start3A_67 = tpu.memref_squeeze %dma_start3A_66 : memref<1x16x128xi32, #tpu.memory_space<hbm>> -> memref<16x128xi32, #tpu.memory_space<hbm>>
          %dma_start3A_68 = arith.constant 0 : i32
          %dma_start3A_69 = tpu.memref_slice %arg3[%arg1, %add3A_31, %dma_start3A_68] : memref<16x144x128xi32, #tpu.memory_space<hbm>> -> memref<1x16x128xi32, #tpu.memory_space<hbm>>
          %dma_start3A_70 = tpu.memref_squeeze %dma_start3A_69 : memref<1x16x128xi32, #tpu.memory_space<hbm>> -> memref<16x128xi32, #tpu.memory_space<hbm>>
          tpu.enqueue_dma source(%dma_start3A_70 : memref<16x128xi32, #tpu.memory_space<hbm>>) target(%arg8 : memref<16x128xi32, #tpu.memory_space<vmem>>) target_semaphore(%run_scoped3A_64 : memref<!tpu.dma_semaphore, #tpu.memory_space<semaphore_mem>>)
          %dma_wait3A_71 = arith.constant 0 : i32
          %dma_wait3A_72 = tpu.memref_slice %arg3[%arg1, %add3A_31, %dma_wait3A_71] : memref<16x144x128xi32, #tpu.memory_space<hbm>> -> memref<1x16x128xi32, #tpu.memory_space<hbm>>
          %dma_wait3A_73 = tpu.memref_squeeze %dma_wait3A_72 : memref<1x16x128xi32, #tpu.memory_space<hbm>> -> memref<16x128xi32, #tpu.memory_space<hbm>>
          %dma_wait3A_74 = arith.constant 0 : i32
          %dma_wait3A_75 = tpu.memref_slice %arg3[%arg1, %add3A_31, %dma_wait3A_74] : memref<16x144x128xi32, #tpu.memory_space<hbm>> -> memref<1x16x128xi32, #tpu.memory_space<hbm>>
          %dma_wait3A_76 = tpu.memref_squeeze %dma_wait3A_75 : memref<1x16x128xi32, #tpu.memory_space<hbm>> -> memref<16x128xi32, #tpu.memory_space<hbm>>
          tpu.wait_dma2 semaphore(%run_scoped3A_64 : memref<!tpu.dma_semaphore, #tpu.memory_space<semaphore_mem>>) src(%dma_wait3A_76 : memref<16x128xi32, #tpu.memory_space<hbm>>) dst(%arg8 : memref<16x128xi32, #tpu.memory_space<vmem>>)
          tpu.yield
        }) : () -> ()
        "tpu.region"() ({
          %run_scoped3A_64 = tpu.sem_alloc : memref<!tpu.dma_semaphore, #tpu.memory_space<semaphore_mem>>
          %dma_start3A_65 = arith.constant 0 : i32
          %dma_start3A_66 = tpu.memref_slice %arg4[%arg1, %add3A_31, %dma_start3A_65] : memref<16x144x128xi32, #tpu.memory_space<hbm>> -> memref<1x16x128xi32, #tpu.memory_space<hbm>>
          %dma_start3A_67 = tpu.memref_squeeze %dma_start3A_66 : memref<1x16x128xi32, #tpu.memory_space<hbm>> -> memref<16x128xi32, #tpu.memory_space<hbm>>
          %dma_start3A_68 = arith.constant 0 : i32
          %dma_start3A_69 = tpu.memref_slice %arg4[%arg1, %add3A_31, %dma_start3A_68] : memref<16x144x128xi32, #tpu.memory_space<hbm>> -> memref<1x16x128xi32, #tpu.memory_space<hbm>>
          %dma_start3A_70 = tpu.memref_squeeze %dma_start3A_69 : memref<1x16x128xi32, #tpu.memory_space<hbm>> -> memref<16x128xi32, #tpu.memory_space<hbm>>
          tpu.enqueue_dma source(%dma_start3A_70 : memref<16x128xi32, #tpu.memory_space<hbm>>) target(%arg9 : memref<16x128xi32, #tpu.memory_space<vmem>>) target_semaphore(%run_scoped3A_64 : memref<!tpu.dma_semaphore, #tpu.memory_space<semaphore_mem>>)
          %dma_wait3A_71 = arith.constant 0 : i32
          %dma_wait3A_72 = tpu.memref_slice %arg4[%arg1, %add3A_31, %dma_wait3A_71] : memref<16x144x128xi32, #tpu.memory_space<hbm>> -> memref<1x16x128xi32, #tpu.memory_space<hbm>>
          %dma_wait3A_73 = tpu.memref_squeeze %dma_wait3A_72 : memref<1x16x128xi32, #tpu.memory_space<hbm>> -> memref<16x128xi32, #tpu.memory_space<hbm>>
          %dma_wait3A_74 = arith.constant 0 : i32
          %dma_wait3A_75 = tpu.memref_slice %arg4[%arg1, %add3A_31, %dma_wait3A_74] : memref<16x144x128xi32, #tpu.memory_space<hbm>> -> memref<1x16x128xi32, #tpu.memory_space<hbm>>
          %dma_wait3A_76 = tpu.memref_squeeze %dma_wait3A_75 : memref<1x16x128xi32, #tpu.memory_space<hbm>> -> memref<16x128xi32, #tpu.memory_space<hbm>>
          tpu.wait_dma2 semaphore(%run_scoped3A_64 : memref<!tpu.dma_semaphore, #tpu.memory_space<semaphore_mem>>) src(%dma_wait3A_76 : memref<16x128xi32, #tpu.memory_space<hbm>>) dst(%arg9 : memref<16x128xi32, #tpu.memory_space<vmem>>)
          tpu.yield
        }) : () -> ()
        %dma_start3A = arith.constant 0 : i32
        %dma_start3A_32 = arith.constant 0 : i32
        %dma_start3A_33 = tpu.memref_slice %arg8[%dma_start3A, %dma_start3A_32] : memref<16x128xi32, #tpu.memory_space<vmem>> -> memref<1x128xi32, #tpu.memory_space<vmem>>
        %dma_start3A_34 = tpu.memref_squeeze %dma_start3A_33 : memref<1x128xi32, #tpu.memory_space<vmem>> -> memref<128xi32, #tpu.memory_space<vmem>>
        %dma_start3A_35 = arith.constant 0 : i32
        %dma_start3A_36 = arith.constant 0 : i32
        %dma_start3A_37 = tpu.memref_slice %arg2[%dma_start3A_35, %dma_start3A_36] : memref<10000x128xf32, #tpu.memory_space<hbm>> -> memref<10000x128xf32, #tpu.memory_space<hbm>>
        tpu.enqueue_indirect_dma source(%dma_start3A_37 : memref<10000x128xf32, #tpu.memory_space<hbm>>) target(%arg10 : memref<128x128xf32, #tpu.memory_space<vmem>>) offsets(%dma_start3A_34 : memref<128xi32, #tpu.memory_space<vmem>>) semaphore(%arg13 : memref<!tpu.dma_semaphore, #tpu.memory_space<semaphore_mem>>)
        %dma_start3A_38 = arith.constant 1 : i32
        %dma_start3A_39 = arith.constant 0 : i32
        %dma_start3A_40 = tpu.memref_slice %arg8[%dma_start3A_38, %dma_start3A_39] : memref<16x128xi32, #tpu.memory_space<vmem>> -> memref<1x128xi32, #tpu.memory_space<vmem>>
        %dma_start3A_41 = tpu.memref_squeeze %dma_start3A_40 : memref<1x128xi32, #tpu.memory_space<vmem>> -> memref<128xi32, #tpu.memory_space<vmem>>
        %dma_start3A_42 = arith.constant 0 : i32
        %dma_start3A_43 = arith.constant 0 : i32
        %dma_start3A_44 = tpu.memref_slice %arg2[%dma_start3A_42, %dma_start3A_43] : memref<10000x128xf32, #tpu.memory_space<hbm>> -> memref<10000x128xf32, #tpu.memory_space<hbm>>
        tpu.enqueue_indirect_dma source(%dma_start3A_44 : memref<10000x128xf32, #tpu.memory_space<hbm>>) target(%arg11 : memref<128x128xf32, #tpu.memory_space<vmem>>) offsets(%dma_start3A_41 : memref<128xi32, #tpu.memory_space<vmem>>) semaphore(%arg14 : memref<!tpu.dma_semaphore, #tpu.memory_space<semaphore_mem>>)
        %scan3A_45 = arith.constant 0 : i32
        %scan3A_46 = arith.constant 7 : i32
        %scan3A_47 = arith.addi %scan3A_45, %scan3A_46 : i32
        %scan3A_48 = arith.constant 1 : i32
        scf.for %scan3A_64 = %scan3A_45 to %scan3A_47 step %scan3A_48  : i32 {
          %mul3A_65 = arith.constant 2 : i32
          %mul3A_66 = arith.muli %scan3A_64, %mul3A_65 : i32
          %add3A_67 = arith.constant 0 : i32
          %add3A_68 = arith.addi %add3A_67, %mul3A_66 : i32
          %dma_wait3A_69 = arith.constant 0 : i32
          %dma_wait3A_70 = arith.constant 0 : i32
          %dma_wait3A_71 = tpu.memref_slice %arg8[%dma_wait3A_69, %dma_wait3A_70] : memref<16x128xi32, #tpu.memory_space<vmem>> -> memref<1x128xi32, #tpu.memory_space<vmem>>
          %dma_wait3A_72 = tpu.memref_squeeze %dma_wait3A_71 : memref<1x128xi32, #tpu.memory_space<vmem>> -> memref<128xi32, #tpu.memory_space<vmem>>
          %dma_wait3A_73 = arith.constant 0 : i32
          %dma_wait3A_74 = arith.constant 0 : i32
          %dma_wait3A_75 = tpu.memref_slice %arg2[%dma_wait3A_73, %dma_wait3A_74] : memref<10000x128xf32, #tpu.memory_space<hbm>> -> memref<10000x128xf32, #tpu.memory_space<hbm>>
          tpu.wait_indirect_dma semaphore(%arg13 : memref<!tpu.dma_semaphore, #tpu.memory_space<semaphore_mem>>) src(%dma_wait3A_75 : memref<10000x128xf32, #tpu.memory_space<hbm>>) dst(%arg10 : memref<128x128xf32, #tpu.memory_space<vmem>>)
          %add3A_76 = arith.constant 0 : i32
          %add3A_77 = arith.addi %add3A_68, %add3A_76 : i32
          %dma_start3A_78 = arith.constant 0 : i32
          %dma_start3A_79 = tpu.memref_slice %arg9[%add3A_77, %dma_start3A_78] : memref<16x128xi32, #tpu.memory_space<vmem>> -> memref<1x128xi32, #tpu.memory_space<vmem>>
          %dma_start3A_80 = tpu.memref_squeeze %dma_start3A_79 : memref<1x128xi32, #tpu.memory_space<vmem>> -> memref<128xi32, #tpu.memory_space<vmem>>
          %dma_start3A_81 = arith.constant 0 : i32
          %dma_start3A_82 = arith.constant 0 : i32
          %dma_start3A_83 = tpu.memref_slice %arg12[%dma_start3A_81, %dma_start3A_82] : memref<10240x128xf32, #tpu.memory_space<vmem_shared>> -> memref<10240x128xf32, #tpu.memory_space<vmem_shared>>
          tpu.enqueue_indirect_dma source(%arg10 : memref<128x128xf32, #tpu.memory_space<vmem>>) target(%dma_start3A_83 : memref<10240x128xf32, #tpu.memory_space<vmem_shared>>) offsets(%dma_start3A_80 : memref<128xi32, #tpu.memory_space<vmem>>) semaphore(%arg15 : memref<!tpu.dma_semaphore, #tpu.memory_space<semaphore_mem>>) {add = true}
          %dma_wait3A_84 = arith.constant 0 : i32
          %dma_wait3A_85 = arith.constant 0 : i32
          %dma_wait3A_86 = tpu.memref_slice %arg8[%dma_wait3A_84, %dma_wait3A_85] : memref<16x128xi32, #tpu.memory_space<vmem>> -> memref<1x128xi32, #tpu.memory_space<vmem>>
          %dma_wait3A_87 = tpu.memref_squeeze %dma_wait3A_86 : memref<1x128xi32, #tpu.memory_space<vmem>> -> memref<128xi32, #tpu.memory_space<vmem>>
          %dma_wait3A_88 = arith.constant 0 : i32
          %dma_wait3A_89 = arith.constant 0 : i32
          %dma_wait3A_90 = tpu.memref_slice %arg2[%dma_wait3A_88, %dma_wait3A_89] : memref<10000x128xf32, #tpu.memory_space<hbm>> -> memref<10000x128xf32, #tpu.memory_space<hbm>>
          tpu.wait_indirect_dma semaphore(%arg14 : memref<!tpu.dma_semaphore, #tpu.memory_space<semaphore_mem>>) src(%dma_wait3A_90 : memref<10000x128xf32, #tpu.memory_space<hbm>>) dst(%arg11 : memref<128x128xf32, #tpu.memory_space<vmem>>)
          %add3A_91 = arith.constant 1 : i32
          %add3A_92 = arith.addi %add3A_68, %add3A_91 : i32
          %dma_start3A_93 = arith.constant 0 : i32
          %dma_start3A_94 = tpu.memref_slice %arg9[%add3A_92, %dma_start3A_93] : memref<16x128xi32, #tpu.memory_space<vmem>> -> memref<1x128xi32, #tpu.memory_space<vmem>>
          %dma_start3A_95 = tpu.memref_squeeze %dma_start3A_94 : memref<1x128xi32, #tpu.memory_space<vmem>> -> memref<128xi32, #tpu.memory_space<vmem>>
          %dma_start3A_96 = arith.constant 0 : i32
          %dma_start3A_97 = arith.constant 0 : i32
          %dma_start3A_98 = tpu.memref_slice %arg12[%dma_start3A_96, %dma_start3A_97] : memref<10240x128xf32, #tpu.memory_space<vmem_shared>> -> memref<10240x128xf32, #tpu.memory_space<vmem_shared>>
          tpu.enqueue_indirect_dma source(%arg11 : memref<128x128xf32, #tpu.memory_space<vmem>>) target(%dma_start3A_98 : memref<10240x128xf32, #tpu.memory_space<vmem_shared>>) offsets(%dma_start3A_95 : memref<128xi32, #tpu.memory_space<vmem>>) semaphore(%arg16 : memref<!tpu.dma_semaphore, #tpu.memory_space<semaphore_mem>>) {add = true}
          %dma_wait3A_99 = arith.constant 0 : i32
          %dma_wait3A_100 = tpu.memref_slice %arg9[%add3A_77, %dma_wait3A_99] : memref<16x128xi32, #tpu.memory_space<vmem>> -> memref<1x128xi32, #tpu.memory_space<vmem>>
          %dma_wait3A_101 = tpu.memref_squeeze %dma_wait3A_100 : memref<1x128xi32, #tpu.memory_space<vmem>> -> memref<128xi32, #tpu.memory_space<vmem>>
          %dma_wait3A_102 = arith.constant 0 : i32
          %dma_wait3A_103 = arith.constant 0 : i32
          %dma_wait3A_104 = tpu.memref_slice %arg12[%dma_wait3A_102, %dma_wait3A_103] : memref<10240x128xf32, #tpu.memory_space<vmem_shared>> -> memref<10240x128xf32, #tpu.memory_space<vmem_shared>>
          tpu.wait_indirect_dma semaphore(%arg15 : memref<!tpu.dma_semaphore, #tpu.memory_space<semaphore_mem>>) src(%arg10 : memref<128x128xf32, #tpu.memory_space<vmem>>) dst(%dma_wait3A_104 : memref<10240x128xf32, #tpu.memory_space<vmem_shared>>)
          %add3A_105 = arith.constant 2 : i32
          %add3A_106 = arith.addi %add3A_68, %add3A_105 : i32
          %add3A_107 = arith.constant 0 : i32
          %add3A_108 = arith.addi %add3A_106, %add3A_107 : i32
          %dma_start3A_109 = arith.constant 0 : i32
          %dma_start3A_110 = tpu.memref_slice %arg8[%add3A_108, %dma_start3A_109] : memref<16x128xi32, #tpu.memory_space<vmem>> -> memref<1x128xi32, #tpu.memory_space<vmem>>
          %dma_start3A_111 = tpu.memref_squeeze %dma_start3A_110 : memref<1x128xi32, #tpu.memory_space<vmem>> -> memref<128xi32, #tpu.memory_space<vmem>>
          %dma_start3A_112 = arith.constant 0 : i32
          %dma_start3A_113 = arith.constant 0 : i32
          %dma_start3A_114 = tpu.memref_slice %arg2[%dma_start3A_112, %dma_start3A_113] : memref<10000x128xf32, #tpu.memory_space<hbm>> -> memref<10000x128xf32, #tpu.memory_space<hbm>>
          tpu.enqueue_indirect_dma source(%dma_start3A_114 : memref<10000x128xf32, #tpu.memory_space<hbm>>) target(%arg10 : memref<128x128xf32, #tpu.memory_space<vmem>>) offsets(%dma_start3A_111 : memref<128xi32, #tpu.memory_space<vmem>>) semaphore(%arg13 : memref<!tpu.dma_semaphore, #tpu.memory_space<semaphore_mem>>)
          %dma_wait3A_115 = arith.constant 0 : i32
          %dma_wait3A_116 = tpu.memref_slice %arg9[%add3A_92, %dma_wait3A_115] : memref<16x128xi32, #tpu.memory_space<vmem>> -> memref<1x128xi32, #tpu.memory_space<vmem>>
          %dma_wait3A_117 = tpu.memref_squeeze %dma_wait3A_116 : memref<1x128xi32, #tpu.memory_space<vmem>> -> memref<128xi32, #tpu.memory_space<vmem>>
          %dma_wait3A_118 = arith.constant 0 : i32
          %dma_wait3A_119 = arith.constant 0 : i32
          %dma_wait3A_120 = tpu.memref_slice %arg12[%dma_wait3A_118, %dma_wait3A_119] : memref<10240x128xf32, #tpu.memory_space<vmem_shared>> -> memref<10240x128xf32, #tpu.memory_space<vmem_shared>>
          tpu.wait_indirect_dma semaphore(%arg16 : memref<!tpu.dma_semaphore, #tpu.memory_space<semaphore_mem>>) src(%arg11 : memref<128x128xf32, #tpu.memory_space<vmem>>) dst(%dma_wait3A_120 : memref<10240x128xf32, #tpu.memory_space<vmem_shared>>)
          %add3A_121 = arith.constant 2 : i32
          %add3A_122 = arith.addi %add3A_68, %add3A_121 : i32
          %add3A_123 = arith.constant 1 : i32
          %add3A_124 = arith.addi %add3A_122, %add3A_123 : i32
          %dma_start3A_125 = arith.constant 0 : i32
          %dma_start3A_126 = tpu.memref_slice %arg8[%add3A_124, %dma_start3A_125] : memref<16x128xi32, #tpu.memory_space<vmem>> -> memref<1x128xi32, #tpu.memory_space<vmem>>
          %dma_start3A_127 = tpu.memref_squeeze %dma_start3A_126 : memref<1x128xi32, #tpu.memory_space<vmem>> -> memref<128xi32, #tpu.memory_space<vmem>>
          %dma_start3A_128 = arith.constant 0 : i32
          %dma_start3A_129 = arith.constant 0 : i32
          %dma_start3A_130 = tpu.memref_slice %arg2[%dma_start3A_128, %dma_start3A_129] : memref<10000x128xf32, #tpu.memory_space<hbm>> -> memref<10000x128xf32, #tpu.memory_space<hbm>>
          tpu.enqueue_indirect_dma source(%dma_start3A_130 : memref<10000x128xf32, #tpu.memory_space<hbm>>) target(%arg11 : memref<128x128xf32, #tpu.memory_space<vmem>>) offsets(%dma_start3A_127 : memref<128xi32, #tpu.memory_space<vmem>>) semaphore(%arg14 : memref<!tpu.dma_semaphore, #tpu.memory_space<semaphore_mem>>)
        }
        %scan3A_49 = arith.constant 7 : i32
        %dma_wait3A = arith.constant 0 : i32
        %dma_wait3A_50 = arith.constant 0 : i32
        %dma_wait3A_51 = tpu.memref_slice %arg8[%dma_wait3A, %dma_wait3A_50] : memref<16x128xi32, #tpu.memory_space<vmem>> -> memref<1x128xi32, #tpu.memory_space<vmem>>
        %dma_wait3A_52 = tpu.memref_squeeze %dma_wait3A_51 : memref<1x128xi32, #tpu.memory_space<vmem>> -> memref<128xi32, #tpu.memory_space<vmem>>
        %dma_wait3A_53 = arith.constant 0 : i32
        %dma_wait3A_54 = arith.constant 0 : i32
        %dma_wait3A_55 = tpu.memref_slice %arg2[%dma_wait3A_53, %dma_wait3A_54] : memref<10000x128xf32, #tpu.memory_space<hbm>> -> memref<10000x128xf32, #tpu.memory_space<hbm>>
        tpu.wait_indirect_dma semaphore(%arg13 : memref<!tpu.dma_semaphore, #tpu.memory_space<semaphore_mem>>) src(%dma_wait3A_55 : memref<10000x128xf32, #tpu.memory_space<hbm>>) dst(%arg10 : memref<128x128xf32, #tpu.memory_space<vmem>>)
        %run_scoped3A = arith.constant 14 : i32
        "tpu.region"() ({
          %run_scoped3A_64 = tpu.sem_alloc : memref<!tpu.dma_semaphore, #tpu.memory_space<semaphore_mem>>
          %dma_start3A_65 = arith.constant 0 : i32
          %dma_start3A_66 = tpu.memref_slice %arg9[%run_scoped3A, %dma_start3A_65] : memref<16x128xi32, #tpu.memory_space<vmem>> -> memref<1x128xi32, #tpu.memory_space<vmem>>
          %dma_start3A_67 = tpu.memref_squeeze %dma_start3A_66 : memref<1x128xi32, #tpu.memory_space<vmem>> -> memref<128xi32, #tpu.memory_space<vmem>>
          %dma_start3A_68 = arith.constant 0 : i32
          %dma_start3A_69 = arith.constant 0 : i32
          %dma_start3A_70 = tpu.memref_slice %arg12[%dma_start3A_68, %dma_start3A_69] : memref<10240x128xf32, #tpu.memory_space<vmem_shared>> -> memref<10240x128xf32, #tpu.memory_space<vmem_shared>>
          tpu.enqueue_indirect_dma source(%arg10 : memref<128x128xf32, #tpu.memory_space<vmem>>) target(%dma_start3A_70 : memref<10240x128xf32, #tpu.memory_space<vmem_shared>>) offsets(%dma_start3A_67 : memref<128xi32, #tpu.memory_space<vmem>>) semaphore(%run_scoped3A_64 : memref<!tpu.dma_semaphore, #tpu.memory_space<semaphore_mem>>) {add = true}
          %dma_wait3A_71 = arith.constant 0 : i32
          %dma_wait3A_72 = tpu.memref_slice %arg9[%run_scoped3A, %dma_wait3A_71] : memref<16x128xi32, #tpu.memory_space<vmem>> -> memref<1x128xi32, #tpu.memory_space<vmem>>
          %dma_wait3A_73 = tpu.memref_squeeze %dma_wait3A_72 : memref<1x128xi32, #tpu.memory_space<vmem>> -> memref<128xi32, #tpu.memory_space<vmem>>
          %dma_wait3A_74 = arith.constant 0 : i32
          %dma_wait3A_75 = arith.constant 0 : i32
          %dma_wait3A_76 = tpu.memref_slice %arg12[%dma_wait3A_74, %dma_wait3A_75] : memref<10240x128xf32, #tpu.memory_space<vmem_shared>> -> memref<10240x128xf32, #tpu.memory_space<vmem_shared>>
          tpu.wait_indirect_dma semaphore(%run_scoped3A_64 : memref<!tpu.dma_semaphore, #tpu.memory_space<semaphore_mem>>) src(%arg10 : memref<128x128xf32, #tpu.memory_space<vmem>>) dst(%dma_wait3A_76 : memref<10240x128xf32, #tpu.memory_space<vmem_shared>>)
          tpu.yield
        }) : () -> ()
        %dma_wait3A_56 = arith.constant 0 : i32
        %dma_wait3A_57 = arith.constant 0 : i32
        %dma_wait3A_58 = tpu.memref_slice %arg8[%dma_wait3A_56, %dma_wait3A_57] : memref<16x128xi32, #tpu.memory_space<vmem>> -> memref<1x128xi32, #tpu.memory_space<vmem>>
        %dma_wait3A_59 = tpu.memref_squeeze %dma_wait3A_58 : memref<1x128xi32, #tpu.memory_space<vmem>> -> memref<128xi32, #tpu.memory_space<vmem>>
        %dma_wait3A_60 = arith.constant 0 : i32
        %dma_wait3A_61 = arith.constant 0 : i32
        %dma_wait3A_62 = tpu.memref_slice %arg2[%dma_wait3A_60, %dma_wait3A_61] : memref<10000x128xf32, #tpu.memory_space<hbm>> -> memref<10000x128xf32, #tpu.memory_space<hbm>>
        tpu.wait_indirect_dma semaphore(%arg14 : memref<!tpu.dma_semaphore, #tpu.memory_space<semaphore_mem>>) src(%dma_wait3A_62 : memref<10000x128xf32, #tpu.memory_space<hbm>>) dst(%arg11 : memref<128x128xf32, #tpu.memory_space<vmem>>)
        %run_scoped3A_63 = arith.constant 15 : i32
        "tpu.region"() ({
          %run_scoped3A_64 = tpu.sem_alloc : memref<!tpu.dma_semaphore, #tpu.memory_space<semaphore_mem>>
          %dma_start3A_65 = arith.constant 0 : i32
          %dma_start3A_66 = tpu.memref_slice %arg9[%run_scoped3A_63, %dma_start3A_65] : memref<16x128xi32, #tpu.memory_space<vmem>> -> memref<1x128xi32, #tpu.memory_space<vmem>>
          %dma_start3A_67 = tpu.memref_squeeze %dma_start3A_66 : memref<1x128xi32, #tpu.memory_space<vmem>> -> memref<128xi32, #tpu.memory_space<vmem>>
          %dma_start3A_68 = arith.constant 0 : i32
          %dma_start3A_69 = arith.constant 0 : i32
          %dma_start3A_70 = tpu.memref_slice %arg12[%dma_start3A_68, %dma_start3A_69] : memref<10240x128xf32, #tpu.memory_space<vmem_shared>> -> memref<10240x128xf32, #tpu.memory_space<vmem_shared>>
          tpu.enqueue_indirect_dma source(%arg11 : memref<128x128xf32, #tpu.memory_space<vmem>>) target(%dma_start3A_70 : memref<10240x128xf32, #tpu.memory_space<vmem_shared>>) offsets(%dma_start3A_67 : memref<128xi32, #tpu.memory_space<vmem>>) semaphore(%run_scoped3A_64 : memref<!tpu.dma_semaphore, #tpu.memory_space<semaphore_mem>>) {add = true}
          %dma_wait3A_71 = arith.constant 0 : i32
          %dma_wait3A_72 = tpu.memref_slice %arg9[%run_scoped3A_63, %dma_wait3A_71] : memref<16x128xi32, #tpu.memory_space<vmem>> -> memref<1x128xi32, #tpu.memory_space<vmem>>
          %dma_wait3A_73 = tpu.memref_squeeze %dma_wait3A_72 : memref<1x128xi32, #tpu.memory_space<vmem>> -> memref<128xi32, #tpu.memory_space<vmem>>
          %dma_wait3A_74 = arith.constant 0 : i32
          %dma_wait3A_75 = arith.constant 0 : i32
          %dma_wait3A_76 = tpu.memref_slice %arg12[%dma_wait3A_74, %dma_wait3A_75] : memref<10240x128xf32, #tpu.memory_space<vmem_shared>> -> memref<10240x128xf32, #tpu.memory_space<vmem_shared>>
          tpu.wait_indirect_dma semaphore(%run_scoped3A_64 : memref<!tpu.dma_semaphore, #tpu.memory_space<semaphore_mem>>) src(%arg11 : memref<128x128xf32, #tpu.memory_space<vmem>>) dst(%dma_wait3A_76 : memref<10240x128xf32, #tpu.memory_space<vmem_shared>>)
          tpu.yield
        }) : () -> ()
      }
      %scan3A_27 = arith.constant 9 : i32
    } else {
    }
    %eq3A_12 = arith.constant 1 : i32
    %eq3A_13 = arith.cmpi eq, %arg0, %eq3A_12 : i32
    %convert_element_type3A_14 = arith.extui %eq3A_13 : i1 to i32
    %cond3A_15 = arith.constant 0 : i32
    %cond3A_16 = arith.cmpi ne, %convert_element_type3A_14, %cond3A_15 : i32
    scf.if %cond3A_16 {
      %scan3A_23 = arith.constant 0 : i32
      %mul3A_24 = arith.constant 16 : i32
      %mul3A_25 = arith.muli %scan3A_23, %mul3A_24 : i32
      %add3A = arith.constant 0 : i32
      %add3A_26 = arith.addi %add3A, %mul3A_25 : i32
      "tpu.region"() ({
        %run_scoped3A_60 = tpu.sem_alloc : memref<!tpu.dma_semaphore, #tpu.memory_space<semaphore_mem>>
        %dma_start3A_61 = arith.constant 0 : i32
        %dma_start3A_62 = tpu.memref_slice %arg5[%arg1, %add3A_26, %dma_start3A_61] : memref<16x16x128xi32, #tpu.memory_space<hbm>> -> memref<1x16x128xi32, #tpu.memory_space<hbm>>
        %dma_start3A_63 = tpu.memref_squeeze %dma_start3A_62 : memref<1x16x128xi32, #tpu.memory_space<hbm>> -> memref<16x128xi32, #tpu.memory_space<hbm>>
        %dma_start3A_64 = arith.constant 0 : i32
        %dma_start3A_65 = tpu.memref_slice %arg5[%arg1, %add3A_26, %dma_start3A_64] : memref<16x16x128xi32, #tpu.memory_space<hbm>> -> memref<1x16x128xi32, #tpu.memory_space<hbm>>
        %dma_start3A_66 = tpu.memref_squeeze %dma_start3A_65 : memref<1x16x128xi32, #tpu.memory_space<hbm>> -> memref<16x128xi32, #tpu.memory_space<hbm>>
        tpu.enqueue_dma source(%dma_start3A_66 : memref<16x128xi32, #tpu.memory_space<hbm>>) target(%arg8 : memref<16x128xi32, #tpu.memory_space<vmem>>) target_semaphore(%run_scoped3A_60 : memref<!tpu.dma_semaphore, #tpu.memory_space<semaphore_mem>>)
        %dma_wait3A_67 = arith.constant 0 : i32
        %dma_wait3A_68 = tpu.memref_slice %arg5[%arg1, %add3A_26, %dma_wait3A_67] : memref<16x16x128xi32, #tpu.memory_space<hbm>> -> memref<1x16x128xi32, #tpu.memory_space<hbm>>
        %dma_wait3A_69 = tpu.memref_squeeze %dma_wait3A_68 : memref<1x16x128xi32, #tpu.memory_space<hbm>> -> memref<16x128xi32, #tpu.memory_space<hbm>>
        %dma_wait3A_70 = arith.constant 0 : i32
        %dma_wait3A_71 = tpu.memref_slice %arg5[%arg1, %add3A_26, %dma_wait3A_70] : memref<16x16x128xi32, #tpu.memory_space<hbm>> -> memref<1x16x128xi32, #tpu.memory_space<hbm>>
        %dma_wait3A_72 = tpu.memref_squeeze %dma_wait3A_71 : memref<1x16x128xi32, #tpu.memory_space<hbm>> -> memref<16x128xi32, #tpu.memory_space<hbm>>
        tpu.wait_dma2 semaphore(%run_scoped3A_60 : memref<!tpu.dma_semaphore, #tpu.memory_space<semaphore_mem>>) src(%dma_wait3A_72 : memref<16x128xi32, #tpu.memory_space<hbm>>) dst(%arg8 : memref<16x128xi32, #tpu.memory_space<vmem>>)
        tpu.yield
      }) : () -> ()
      "tpu.region"() ({
        %run_scoped3A_60 = tpu.sem_alloc : memref<!tpu.dma_semaphore, #tpu.memory_space<semaphore_mem>>
        %dma_start3A_61 = arith.constant 0 : i32
        %dma_start3A_62 = tpu.memref_slice %arg6[%arg1, %add3A_26, %dma_start3A_61] : memref<16x16x128xi32, #tpu.memory_space<hbm>> -> memref<1x16x128xi32, #tpu.memory_space<hbm>>
        %dma_start3A_63 = tpu.memref_squeeze %dma_start3A_62 : memref<1x16x128xi32, #tpu.memory_space<hbm>> -> memref<16x128xi32, #tpu.memory_space<hbm>>
        %dma_start3A_64 = arith.constant 0 : i32
        %dma_start3A_65 = tpu.memref_slice %arg6[%arg1, %add3A_26, %dma_start3A_64] : memref<16x16x128xi32, #tpu.memory_space<hbm>> -> memref<1x16x128xi32, #tpu.memory_space<hbm>>
        %dma_start3A_66 = tpu.memref_squeeze %dma_start3A_65 : memref<1x16x128xi32, #tpu.memory_space<hbm>> -> memref<16x128xi32, #tpu.memory_space<hbm>>
        tpu.enqueue_dma source(%dma_start3A_66 : memref<16x128xi32, #tpu.memory_space<hbm>>) target(%arg9 : memref<16x128xi32, #tpu.memory_space<vmem>>) target_semaphore(%run_scoped3A_60 : memref<!tpu.dma_semaphore, #tpu.memory_space<semaphore_mem>>)
        %dma_wait3A_67 = arith.constant 0 : i32
        %dma_wait3A_68 = tpu.memref_slice %arg6[%arg1, %add3A_26, %dma_wait3A_67] : memref<16x16x128xi32, #tpu.memory_space<hbm>> -> memref<1x16x128xi32, #tpu.memory_space<hbm>>
        %dma_wait3A_69 = tpu.memref_squeeze %dma_wait3A_68 : memref<1x16x128xi32, #tpu.memory_space<hbm>> -> memref<16x128xi32, #tpu.memory_space<hbm>>
        %dma_wait3A_70 = arith.constant 0 : i32
        %dma_wait3A_71 = tpu.memref_slice %arg6[%arg1, %add3A_26, %dma_wait3A_70] : memref<16x16x128xi32, #tpu.memory_space<hbm>> -> memref<1x16x128xi32, #tpu.memory_space<hbm>>
        %dma_wait3A_72 = tpu.memref_squeeze %dma_wait3A_71 : memref<1x16x128xi32, #tpu.memory_space<hbm>> -> memref<16x128xi32, #tpu.memory_space<hbm>>
        tpu.wait_dma2 semaphore(%run_scoped3A_60 : memref<!tpu.dma_semaphore, #tpu.memory_space<semaphore_mem>>) src(%dma_wait3A_72 : memref<16x128xi32, #tpu.memory_space<hbm>>) dst(%arg9 : memref<16x128xi32, #tpu.memory_space<vmem>>)
        tpu.yield
      }) : () -> ()
      %dma_start3A = arith.constant 0 : i32
      %dma_start3A_27 = arith.constant 0 : i32
      %dma_start3A_28 = tpu.memref_slice %arg8[%dma_start3A, %dma_start3A_27] : memref<16x128xi32, #tpu.memory_space<vmem>> -> memref<1x128xi32, #tpu.memory_space<vmem>>
      %dma_start3A_29 = tpu.memref_squeeze %dma_start3A_28 : memref<1x128xi32, #tpu.memory_space<vmem>> -> memref<128xi32, #tpu.memory_space<vmem>>
      %dma_start3A_30 = arith.constant 0 : i32
      %dma_start3A_31 = arith.constant 0 : i32
      %dma_start3A_32 = tpu.memref_slice %arg2[%dma_start3A_30, %dma_start3A_31] : memref<10000x128xf32, #tpu.memory_space<hbm>> -> memref<10000x128xf32, #tpu.memory_space<hbm>>
      tpu.enqueue_indirect_dma source(%dma_start3A_32 : memref<10000x128xf32, #tpu.memory_space<hbm>>) target(%arg10 : memref<128x128xf32, #tpu.memory_space<vmem>>) offsets(%dma_start3A_29 : memref<128xi32, #tpu.memory_space<vmem>>) semaphore(%arg13 : memref<!tpu.dma_semaphore, #tpu.memory_space<semaphore_mem>>)
      %dma_start3A_33 = arith.constant 1 : i32
      %dma_start3A_34 = arith.constant 0 : i32
      %dma_start3A_35 = tpu.memref_slice %arg8[%dma_start3A_33, %dma_start3A_34] : memref<16x128xi32, #tpu.memory_space<vmem>> -> memref<1x128xi32, #tpu.memory_space<vmem>>
      %dma_start3A_36 = tpu.memref_squeeze %dma_start3A_35 : memref<1x128xi32, #tpu.memory_space<vmem>> -> memref<128xi32, #tpu.memory_space<vmem>>
      %dma_start3A_37 = arith.constant 0 : i32
      %dma_start3A_38 = arith.constant 0 : i32
      %dma_start3A_39 = tpu.memref_slice %arg2[%dma_start3A_37, %dma_start3A_38] : memref<10000x128xf32, #tpu.memory_space<hbm>> -> memref<10000x128xf32, #tpu.memory_space<hbm>>
      tpu.enqueue_indirect_dma source(%dma_start3A_39 : memref<10000x128xf32, #tpu.memory_space<hbm>>) target(%arg11 : memref<128x128xf32, #tpu.memory_space<vmem>>) offsets(%dma_start3A_36 : memref<128xi32, #tpu.memory_space<vmem>>) semaphore(%arg14 : memref<!tpu.dma_semaphore, #tpu.memory_space<semaphore_mem>>)
      %scan3A_40 = arith.constant 0 : i32
      %scan3A_41 = arith.constant 7 : i32
      %scan3A_42 = arith.addi %scan3A_40, %scan3A_41 : i32
      %scan3A_43 = arith.constant 1 : i32
      scf.for %scan3A_60 = %scan3A_40 to %scan3A_42 step %scan3A_43  : i32 {
        %mul3A_61 = arith.constant 2 : i32
        %mul3A_62 = arith.muli %scan3A_60, %mul3A_61 : i32
        %add3A_63 = arith.constant 0 : i32
        %add3A_64 = arith.addi %add3A_63, %mul3A_62 : i32
        %dma_wait3A_65 = arith.constant 0 : i32
        %dma_wait3A_66 = arith.constant 0 : i32
        %dma_wait3A_67 = tpu.memref_slice %arg8[%dma_wait3A_65, %dma_wait3A_66] : memref<16x128xi32, #tpu.memory_space<vmem>> -> memref<1x128xi32, #tpu.memory_space<vmem>>
        %dma_wait3A_68 = tpu.memref_squeeze %dma_wait3A_67 : memref<1x128xi32, #tpu.memory_space<vmem>> -> memref<128xi32, #tpu.memory_space<vmem>>
        %dma_wait3A_69 = arith.constant 0 : i32
        %dma_wait3A_70 = arith.constant 0 : i32
        %dma_wait3A_71 = tpu.memref_slice %arg2[%dma_wait3A_69, %dma_wait3A_70] : memref<10000x128xf32, #tpu.memory_space<hbm>> -> memref<10000x128xf32, #tpu.memory_space<hbm>>
        tpu.wait_indirect_dma semaphore(%arg13 : memref<!tpu.dma_semaphore, #tpu.memory_space<semaphore_mem>>) src(%dma_wait3A_71 : memref<10000x128xf32, #tpu.memory_space<hbm>>) dst(%arg10 : memref<128x128xf32, #tpu.memory_space<vmem>>)
        %add3A_72 = arith.constant 0 : i32
        %add3A_73 = arith.addi %add3A_64, %add3A_72 : i32
        %dma_start3A_74 = arith.constant 0 : i32
        %dma_start3A_75 = tpu.memref_slice %arg9[%add3A_73, %dma_start3A_74] : memref<16x128xi32, #tpu.memory_space<vmem>> -> memref<1x128xi32, #tpu.memory_space<vmem>>
        %dma_start3A_76 = tpu.memref_squeeze %dma_start3A_75 : memref<1x128xi32, #tpu.memory_space<vmem>> -> memref<128xi32, #tpu.memory_space<vmem>>
        %dma_start3A_77 = arith.constant 0 : i32
        %dma_start3A_78 = arith.constant 0 : i32
        %dma_start3A_79 = tpu.memref_slice %arg12[%dma_start3A_77, %dma_start3A_78] : memref<10240x128xf32, #tpu.memory_space<vmem_shared>> -> memref<10240x128xf32, #tpu.memory_space<vmem_shared>>
        tpu.enqueue_indirect_dma source(%arg10 : memref<128x128xf32, #tpu.memory_space<vmem>>) target(%dma_start3A_79 : memref<10240x128xf32, #tpu.memory_space<vmem_shared>>) offsets(%dma_start3A_76 : memref<128xi32, #tpu.memory_space<vmem>>) semaphore(%arg15 : memref<!tpu.dma_semaphore, #tpu.memory_space<semaphore_mem>>) {add = true}
        %dma_wait3A_80 = arith.constant 0 : i32
        %dma_wait3A_81 = arith.constant 0 : i32
        %dma_wait3A_82 = tpu.memref_slice %arg8[%dma_wait3A_80, %dma_wait3A_81] : memref<16x128xi32, #tpu.memory_space<vmem>> -> memref<1x128xi32, #tpu.memory_space<vmem>>
        %dma_wait3A_83 = tpu.memref_squeeze %dma_wait3A_82 : memref<1x128xi32, #tpu.memory_space<vmem>> -> memref<128xi32, #tpu.memory_space<vmem>>
        %dma_wait3A_84 = arith.constant 0 : i32
        %dma_wait3A_85 = arith.constant 0 : i32
        %dma_wait3A_86 = tpu.memref_slice %arg2[%dma_wait3A_84, %dma_wait3A_85] : memref<10000x128xf32, #tpu.memory_space<hbm>> -> memref<10000x128xf32, #tpu.memory_space<hbm>>
        tpu.wait_indirect_dma semaphore(%arg14 : memref<!tpu.dma_semaphore, #tpu.memory_space<semaphore_mem>>) src(%dma_wait3A_86 : memref<10000x128xf32, #tpu.memory_space<hbm>>) dst(%arg11 : memref<128x128xf32, #tpu.memory_space<vmem>>)
        %add3A_87 = arith.constant 1 : i32
        %add3A_88 = arith.addi %add3A_64, %add3A_87 : i32
        %dma_start3A_89 = arith.constant 0 : i32
        %dma_start3A_90 = tpu.memref_slice %arg9[%add3A_88, %dma_start3A_89] : memref<16x128xi32, #tpu.memory_space<vmem>> -> memref<1x128xi32, #tpu.memory_space<vmem>>
        %dma_start3A_91 = tpu.memref_squeeze %dma_start3A_90 : memref<1x128xi32, #tpu.memory_space<vmem>> -> memref<128xi32, #tpu.memory_space<vmem>>
        %dma_start3A_92 = arith.constant 0 : i32
        %dma_start3A_93 = arith.constant 0 : i32
        %dma_start3A_94 = tpu.memref_slice %arg12[%dma_start3A_92, %dma_start3A_93] : memref<10240x128xf32, #tpu.memory_space<vmem_shared>> -> memref<10240x128xf32, #tpu.memory_space<vmem_shared>>
        tpu.enqueue_indirect_dma source(%arg11 : memref<128x128xf32, #tpu.memory_space<vmem>>) target(%dma_start3A_94 : memref<10240x128xf32, #tpu.memory_space<vmem_shared>>) offsets(%dma_start3A_91 : memref<128xi32, #tpu.memory_space<vmem>>) semaphore(%arg16 : memref<!tpu.dma_semaphore, #tpu.memory_space<semaphore_mem>>) {add = true}
        %dma_wait3A_95 = arith.constant 0 : i32
        %dma_wait3A_96 = tpu.memref_slice %arg9[%add3A_73, %dma_wait3A_95] : memref<16x128xi32, #tpu.memory_space<vmem>> -> memref<1x128xi32, #tpu.memory_space<vmem>>
        %dma_wait3A_97 = tpu.memref_squeeze %dma_wait3A_96 : memref<1x128xi32, #tpu.memory_space<vmem>> -> memref<128xi32, #tpu.memory_space<vmem>>
        %dma_wait3A_98 = arith.constant 0 : i32
        %dma_wait3A_99 = arith.constant 0 : i32
        %dma_wait3A_100 = tpu.memref_slice %arg12[%dma_wait3A_98, %dma_wait3A_99] : memref<10240x128xf32, #tpu.memory_space<vmem_shared>> -> memref<10240x128xf32, #tpu.memory_space<vmem_shared>>
        tpu.wait_indirect_dma semaphore(%arg15 : memref<!tpu.dma_semaphore, #tpu.memory_space<semaphore_mem>>) src(%arg10 : memref<128x128xf32, #tpu.memory_space<vmem>>) dst(%dma_wait3A_100 : memref<10240x128xf32, #tpu.memory_space<vmem_shared>>)
        %add3A_101 = arith.constant 2 : i32
        %add3A_102 = arith.addi %add3A_64, %add3A_101 : i32
        %add3A_103 = arith.constant 0 : i32
        %add3A_104 = arith.addi %add3A_102, %add3A_103 : i32
        %dma_start3A_105 = arith.constant 0 : i32
        %dma_start3A_106 = tpu.memref_slice %arg8[%add3A_104, %dma_start3A_105] : memref<16x128xi32, #tpu.memory_space<vmem>> -> memref<1x128xi32, #tpu.memory_space<vmem>>
        %dma_start3A_107 = tpu.memref_squeeze %dma_start3A_106 : memref<1x128xi32, #tpu.memory_space<vmem>> -> memref<128xi32, #tpu.memory_space<vmem>>
        %dma_start3A_108 = arith.constant 0 : i32
        %dma_start3A_109 = arith.constant 0 : i32
        %dma_start3A_110 = tpu.memref_slice %arg2[%dma_start3A_108, %dma_start3A_109] : memref<10000x128xf32, #tpu.memory_space<hbm>> -> memref<10000x128xf32, #tpu.memory_space<hbm>>
        tpu.enqueue_indirect_dma source(%dma_start3A_110 : memref<10000x128xf32, #tpu.memory_space<hbm>>) target(%arg10 : memref<128x128xf32, #tpu.memory_space<vmem>>) offsets(%dma_start3A_107 : memref<128xi32, #tpu.memory_space<vmem>>) semaphore(%arg13 : memref<!tpu.dma_semaphore, #tpu.memory_space<semaphore_mem>>)
        %dma_wait3A_111 = arith.constant 0 : i32
        %dma_wait3A_112 = tpu.memref_slice %arg9[%add3A_88, %dma_wait3A_111] : memref<16x128xi32, #tpu.memory_space<vmem>> -> memref<1x128xi32, #tpu.memory_space<vmem>>
        %dma_wait3A_113 = tpu.memref_squeeze %dma_wait3A_112 : memref<1x128xi32, #tpu.memory_space<vmem>> -> memref<128xi32, #tpu.memory_space<vmem>>
        %dma_wait3A_114 = arith.constant 0 : i32
        %dma_wait3A_115 = arith.constant 0 : i32
        %dma_wait3A_116 = tpu.memref_slice %arg12[%dma_wait3A_114, %dma_wait3A_115] : memref<10240x128xf32, #tpu.memory_space<vmem_shared>> -> memref<10240x128xf32, #tpu.memory_space<vmem_shared>>
        tpu.wait_indirect_dma semaphore(%arg16 : memref<!tpu.dma_semaphore, #tpu.memory_space<semaphore_mem>>) src(%arg11 : memref<128x128xf32, #tpu.memory_space<vmem>>) dst(%dma_wait3A_116 : memref<10240x128xf32, #tpu.memory_space<vmem_shared>>)
        %add3A_117 = arith.constant 2 : i32
        %add3A_118 = arith.addi %add3A_64, %add3A_117 : i32
        %add3A_119 = arith.constant 1 : i32
        %add3A_120 = arith.addi %add3A_118, %add3A_119 : i32
        %dma_start3A_121 = arith.constant 0 : i32
        %dma_start3A_122 = tpu.memref_slice %arg8[%add3A_120, %dma_start3A_121] : memref<16x128xi32, #tpu.memory_space<vmem>> -> memref<1x128xi32, #tpu.memory_space<vmem>>
        %dma_start3A_123 = tpu.memref_squeeze %dma_start3A_122 : memref<1x128xi32, #tpu.memory_space<vmem>> -> memref<128xi32, #tpu.memory_space<vmem>>
        %dma_start3A_124 = arith.constant 0 : i32
        %dma_start3A_125 = arith.constant 0 : i32
        %dma_start3A_126 = tpu.memref_slice %arg2[%dma_start3A_124, %dma_start3A_125] : memref<10000x128xf32, #tpu.memory_space<hbm>> -> memref<10000x128xf32, #tpu.memory_space<hbm>>
        tpu.enqueue_indirect_dma source(%dma_start3A_126 : memref<10000x128xf32, #tpu.memory_space<hbm>>) target(%arg11 : memref<128x128xf32, #tpu.memory_space<vmem>>) offsets(%dma_start3A_123 : memref<128xi32, #tpu.memory_space<vmem>>) semaphore(%arg14 : memref<!tpu.dma_semaphore, #tpu.memory_space<semaphore_mem>>)
      }
      %scan3A_44 = arith.constant 7 : i32
      %dma_wait3A = arith.constant 0 : i32
      %dma_wait3A_45 = arith.constant 0 : i32
      %dma_wait3A_46 = tpu.memref_slice %arg8[%dma_wait3A, %dma_wait3A_45] : memref<16x128xi32, #tpu.memory_space<vmem>> -> memref<1x128xi32, #tpu.memory_space<vmem>>
      %dma_wait3A_47 = tpu.memref_squeeze %dma_wait3A_46 : memref<1x128xi32, #tpu.memory_space<vmem>> -> memref<128xi32, #tpu.memory_space<vmem>>
      %dma_wait3A_48 = arith.constant 0 : i32
      %dma_wait3A_49 = arith.constant 0 : i32
      %dma_wait3A_50 = tpu.memref_slice %arg2[%dma_wait3A_48, %dma_wait3A_49] : memref<10000x128xf32, #tpu.memory_space<hbm>> -> memref<10000x128xf32, #tpu.memory_space<hbm>>
      tpu.wait_indirect_dma semaphore(%arg13 : memref<!tpu.dma_semaphore, #tpu.memory_space<semaphore_mem>>) src(%dma_wait3A_50 : memref<10000x128xf32, #tpu.memory_space<hbm>>) dst(%arg10 : memref<128x128xf32, #tpu.memory_space<vmem>>)
      %run_scoped3A = arith.constant 14 : i32
      "tpu.region"() ({
        %run_scoped3A_60 = tpu.sem_alloc : memref<!tpu.dma_semaphore, #tpu.memory_space<semaphore_mem>>
        %dma_start3A_61 = arith.constant 0 : i32
        %dma_start3A_62 = tpu.memref_slice %arg9[%run_scoped3A, %dma_start3A_61] : memref<16x128xi32, #tpu.memory_space<vmem>> -> memref<1x128xi32, #tpu.memory_space<vmem>>
        %dma_start3A_63 = tpu.memref_squeeze %dma_start3A_62 : memref<1x128xi32, #tpu.memory_space<vmem>> -> memref<128xi32, #tpu.memory_space<vmem>>
        %dma_start3A_64 = arith.constant 0 : i32
        %dma_start3A_65 = arith.constant 0 : i32
        %dma_start3A_66 = tpu.memref_slice %arg12[%dma_start3A_64, %dma_start3A_65] : memref<10240x128xf32, #tpu.memory_space<vmem_shared>> -> memref<10240x128xf32, #tpu.memory_space<vmem_shared>>
        tpu.enqueue_indirect_dma source(%arg10 : memref<128x128xf32, #tpu.memory_space<vmem>>) target(%dma_start3A_66 : memref<10240x128xf32, #tpu.memory_space<vmem_shared>>) offsets(%dma_start3A_63 : memref<128xi32, #tpu.memory_space<vmem>>) semaphore(%run_scoped3A_60 : memref<!tpu.dma_semaphore, #tpu.memory_space<semaphore_mem>>) {add = true}
        %dma_wait3A_67 = arith.constant 0 : i32
        %dma_wait3A_68 = tpu.memref_slice %arg9[%run_scoped3A, %dma_wait3A_67] : memref<16x128xi32, #tpu.memory_space<vmem>> -> memref<1x128xi32, #tpu.memory_space<vmem>>
        %dma_wait3A_69 = tpu.memref_squeeze %dma_wait3A_68 : memref<1x128xi32, #tpu.memory_space<vmem>> -> memref<128xi32, #tpu.memory_space<vmem>>
        %dma_wait3A_70 = arith.constant 0 : i32
        %dma_wait3A_71 = arith.constant 0 : i32
        %dma_wait3A_72 = tpu.memref_slice %arg12[%dma_wait3A_70, %dma_wait3A_71] : memref<10240x128xf32, #tpu.memory_space<vmem_shared>> -> memref<10240x128xf32, #tpu.memory_space<vmem_shared>>
        tpu.wait_indirect_dma semaphore(%run_scoped3A_60 : memref<!tpu.dma_semaphore, #tpu.memory_space<semaphore_mem>>) src(%arg10 : memref<128x128xf32, #tpu.memory_space<vmem>>) dst(%dma_wait3A_72 : memref<10240x128xf32, #tpu.memory_space<vmem_shared>>)
        tpu.yield
      }) : () -> ()
      %dma_wait3A_51 = arith.constant 0 : i32
      %dma_wait3A_52 = arith.constant 0 : i32
      %dma_wait3A_53 = tpu.memref_slice %arg8[%dma_wait3A_51, %dma_wait3A_52] : memref<16x128xi32, #tpu.memory_space<vmem>> -> memref<1x128xi32, #tpu.memory_space<vmem>>
      %dma_wait3A_54 = tpu.memref_squeeze %dma_wait3A_53 : memref<1x128xi32, #tpu.memory_space<vmem>> -> memref<128xi32, #tpu.memory_space<vmem>>
      %dma_wait3A_55 = arith.constant 0 : i32
      %dma_wait3A_56 = arith.constant 0 : i32
      %dma_wait3A_57 = tpu.memref_slice %arg2[%dma_wait3A_55, %dma_wait3A_56] : memref<10000x128xf32, #tpu.memory_space<hbm>> -> memref<10000x128xf32, #tpu.memory_space<hbm>>
      tpu.wait_indirect_dma semaphore(%arg14 : memref<!tpu.dma_semaphore, #tpu.memory_space<semaphore_mem>>) src(%dma_wait3A_57 : memref<10000x128xf32, #tpu.memory_space<hbm>>) dst(%arg11 : memref<128x128xf32, #tpu.memory_space<vmem>>)
      %run_scoped3A_58 = arith.constant 15 : i32
      "tpu.region"() ({
        %run_scoped3A_60 = tpu.sem_alloc : memref<!tpu.dma_semaphore, #tpu.memory_space<semaphore_mem>>
        %dma_start3A_61 = arith.constant 0 : i32
        %dma_start3A_62 = tpu.memref_slice %arg9[%run_scoped3A_58, %dma_start3A_61] : memref<16x128xi32, #tpu.memory_space<vmem>> -> memref<1x128xi32, #tpu.memory_space<vmem>>
        %dma_start3A_63 = tpu.memref_squeeze %dma_start3A_62 : memref<1x128xi32, #tpu.memory_space<vmem>> -> memref<128xi32, #tpu.memory_space<vmem>>
        %dma_start3A_64 = arith.constant 0 : i32
        %dma_start3A_65 = arith.constant 0 : i32
        %dma_start3A_66 = tpu.memref_slice %arg12[%dma_start3A_64, %dma_start3A_65] : memref<10240x128xf32, #tpu.memory_space<vmem_shared>> -> memref<10240x128xf32, #tpu.memory_space<vmem_shared>>
        tpu.enqueue_indirect_dma source(%arg11 : memref<128x128xf32, #tpu.memory_space<vmem>>) target(%dma_start3A_66 : memref<10240x128xf32, #tpu.memory_space<vmem_shared>>) offsets(%dma_start3A_63 : memref<128xi32, #tpu.memory_space<vmem>>) semaphore(%run_scoped3A_60 : memref<!tpu.dma_semaphore, #tpu.memory_space<semaphore_mem>>) {add = true}
        %dma_wait3A_67 = arith.constant 0 : i32
        %dma_wait3A_68 = tpu.memref_slice %arg9[%run_scoped3A_58, %dma_wait3A_67] : memref<16x128xi32, #tpu.memory_space<vmem>> -> memref<1x128xi32, #tpu.memory_space<vmem>>
        %dma_wait3A_69 = tpu.memref_squeeze %dma_wait3A_68 : memref<1x128xi32, #tpu.memory_space<vmem>> -> memref<128xi32, #tpu.memory_space<vmem>>
        %dma_wait3A_70 = arith.constant 0 : i32
        %dma_wait3A_71 = arith.constant 0 : i32
        %dma_wait3A_72 = tpu.memref_slice %arg12[%dma_wait3A_70, %dma_wait3A_71] : memref<10240x128xf32, #tpu.memory_space<vmem_shared>> -> memref<10240x128xf32, #tpu.memory_space<vmem_shared>>
        tpu.wait_indirect_dma semaphore(%run_scoped3A_60 : memref<!tpu.dma_semaphore, #tpu.memory_space<semaphore_mem>>) src(%arg11 : memref<128x128xf32, #tpu.memory_space<vmem>>) dst(%dma_wait3A_72 : memref<10240x128xf32, #tpu.memory_space<vmem_shared>>)
        tpu.yield
      }) : () -> ()
      %scan3A_59 = arith.constant 1 : i32
    } else {
    }
    %barrier3A_17 = arith.constant 0 : index
    tpu.barrier barrier_id(%barrier3A_17)
    %scan3A_18 = arith.constant 0 : i32
    %scan3A_19 = arith.constant 5 : i32
    %scan3A_20 = arith.addi %scan3A_18, %scan3A_19 : i32
    %scan3A_21 = arith.constant 1 : i32
    scf.for %scan3A_23 = %scan3A_18 to %scan3A_20 step %scan3A_21  : i32 {
      %mul3A_24 = arith.constant 128 : i32
      %mul3A_25 = arith.muli %scan3A_23, %mul3A_24 : i32
      %add3A = arith.constant 0 : i32
      %add3A_26 = arith.addi %add3A, %mul3A_25 : i32
      %add3A_27 = arith.addi %mul3A_0, %add3A_26 : i32
      %add3A_28 = arith.addi %mul3A_0, %add3A_26 : i32
      "tpu.region"() ({
        %run_scoped3A = tpu.sem_alloc : memref<!tpu.dma_semaphore, #tpu.memory_space<semaphore_mem>>
        %dma_start3A = arith.constant 0 : i32
        %dma_start3A_29 = tpu.memref_slice %arg7[%arg0, %add3A_28, %dma_start3A] : memref<2x10240x128xf32, #tpu.memory_space<hbm>> -> memref<1x128x128xf32, #tpu.memory_space<hbm>>
        %dma_start3A_30 = tpu.memref_squeeze %dma_start3A_29 : memref<1x128x128xf32, #tpu.memory_space<hbm>> -> memref<128x128xf32, #tpu.memory_space<hbm>>
        %dma_start3A_31 = arith.constant 0 : i32
        %dma_start3A_32 = tpu.memref_slice %arg12[%add3A_27, %dma_start3A_31] : memref<10240x128xf32, #tpu.memory_space<vmem_shared>> -> memref<128x128xf32, #tpu.memory_space<vmem_shared>>
        tpu.enqueue_dma source(%dma_start3A_32 : memref<128x128xf32, #tpu.memory_space<vmem_shared>>) target(%dma_start3A_30 : memref<128x128xf32, #tpu.memory_space<hbm>>) target_semaphore(%run_scoped3A : memref<!tpu.dma_semaphore, #tpu.memory_space<semaphore_mem>>)
        %dma_wait3A = arith.constant 0 : i32
        %dma_wait3A_33 = tpu.memref_slice %arg7[%arg0, %add3A_28, %dma_wait3A] : memref<2x10240x128xf32, #tpu.memory_space<hbm>> -> memref<1x128x128xf32, #tpu.memory_space<hbm>>
        %dma_wait3A_34 = tpu.memref_squeeze %dma_wait3A_33 : memref<1x128x128xf32, #tpu.memory_space<hbm>> -> memref<128x128xf32, #tpu.memory_space<hbm>>
        %dma_wait3A_35 = arith.constant 0 : i32
        %dma_wait3A_36 = tpu.memref_slice %arg12[%add3A_27, %dma_wait3A_35] : memref<10240x128xf32, #tpu.memory_space<vmem_shared>> -> memref<128x128xf32, #tpu.memory_space<vmem_shared>>
        tpu.wait_dma2 semaphore(%run_scoped3A : memref<!tpu.dma_semaphore, #tpu.memory_space<semaphore_mem>>) src(%dma_wait3A_36 : memref<128x128xf32, #tpu.memory_space<vmem_shared>>) dst(%dma_wait3A_34 : memref<128x128xf32, #tpu.memory_space<hbm>>)
        tpu.yield
      }) : () -> ()
    }
    %scan3A_22 = arith.constant 5 : i32
    return
  }
}

#map = affine_map<(d0, d1) -> (0, 0, 0)>
module attributes {stable_mosaic.version = 14 : i64} {
  func.func @_deg_kernel(%arg0: i32, %arg1: i32, %arg2: memref<32x80x128xi32, #tpu.memory_space<hbm>>, %arg3: memref<2x10240x128xf32, #tpu.memory_space<hbm>>, %arg4: memref<80x128xi32, #tpu.memory_space<vmem>>, %arg5: memref<32x128xf32, #tpu.memory_space<vmem>>, %arg6: memref<128x128xf32, #tpu.memory_space<vmem>>, %arg7: memref<10240x128xf32, #tpu.memory_space<vmem_shared>>, %arg8: memref<!tpu.dma_semaphore, #tpu.memory_space<semaphore_mem>>) attributes {dimension_semantics = [#tpu.dimension_semantics<core_parallel>, #tpu.dimension_semantics<subcore_parallel>], iteration_bounds = array<i64: 2, 16>, scalar_prefetch = 0 : i64, scratch_operands = 5 : i64, tpu.core_type = #tpu.core_type<sc_vector_subcore>, window_params = [{transform_indices = #map}, {transform_indices = #map}]} {
    %mul3A = arith.constant 2 : i32
    %mul3A_0 = arith.muli %arg1, %mul3A : i32
    %add3A = arith.addi %mul3A_0, %arg0 : i32
    %scan3A = arith.constant 0 : i32
    %scan3A_1 = arith.constant 32 : i32
    %scan3A_2 = arith.addi %scan3A, %scan3A_1 : i32
    %scan3A_3 = arith.constant 1 : i32
    scf.for %scan3A_23 = %scan3A to %scan3A_2 step %scan3A_3  : i32 {
      %mul3A_24 = arith.constant 1 : i32
      %mul3A_25 = arith.muli %scan3A_23, %mul3A_24 : i32
      %add3A_26 = arith.constant 0 : i32
      %add3A_27 = arith.addi %add3A_26, %mul3A_25 : i32
      %scan3A_28 = arith.constant 0 : i32
      %scan3A_29 = arith.constant 8 : i32
      %scan3A_30 = arith.addi %scan3A_28, %scan3A_29 : i32
      %scan3A_31 = arith.constant 1 : i32
      scf.for %scan3A_33 = %scan3A_28 to %scan3A_30 step %scan3A_31  : i32 {
        %mul3A_34 = arith.constant 16 : i32
        %mul3A_35 = arith.muli %scan3A_33, %mul3A_34 : i32
        %add3A_36 = arith.constant 0 : i32
        %add3A_37 = arith.addi %add3A_36, %mul3A_35 : i32
        %broadcast_in_dim3A = arith.constant 0.000000e+00 : f32
        %broadcast_in_dim3A_38 = vector.broadcast %broadcast_in_dim3A : f32 to vector<16xf32>
        %swap3A = arith.index_cast %add3A_27 : i32 to index
        %swap3A_39 = arith.index_cast %add3A_37 : i32 to index
        %swap3A_40 = tpu.vector_load %arg5[%swap3A, %swap3A_39] {strides = array<i32>} : memref<32x128xf32, #tpu.memory_space<vmem>>, vector<1x16xf32>,
        %swap3A_41 = vector.shape_cast %swap3A_40 : vector<1x16xf32> to vector<16xf32>
        %swap3A_42 = vector.shape_cast %broadcast_in_dim3A_38 : vector<16xf32> to vector<1x16xf32>
        tpu.vector_store %arg5[%swap3A, %swap3A_39], %swap3A_42 {strides = array<i32>} : memref<32x128xf32, #tpu.memory_space<vmem>>, vector<1x16xf32>,
      }
      %scan3A_32 = arith.constant 8 : i32
    }
    %scan3A_4 = arith.constant 32 : i32
    %scan3A_5 = arith.constant 0 : i32
    %scan3A_6 = arith.constant 128 : i32
    %scan3A_7 = arith.addi %scan3A_5, %scan3A_6 : i32
    %scan3A_8 = arith.constant 1 : i32
    scf.for %scan3A_23 = %scan3A_5 to %scan3A_7 step %scan3A_8  : i32 {
      %mul3A_24 = arith.constant 1 : i32
      %mul3A_25 = arith.muli %scan3A_23, %mul3A_24 : i32
      %add3A_26 = arith.constant 0 : i32
      %add3A_27 = arith.addi %add3A_26, %mul3A_25 : i32
      %scan3A_28 = arith.constant 0 : i32
      %scan3A_29 = arith.constant 8 : i32
      %scan3A_30 = arith.addi %scan3A_28, %scan3A_29 : i32
      %scan3A_31 = arith.constant 1 : i32
      scf.for %scan3A_33 = %scan3A_28 to %scan3A_30 step %scan3A_31  : i32 {
        %mul3A_34 = arith.constant 16 : i32
        %mul3A_35 = arith.muli %scan3A_33, %mul3A_34 : i32
        %add3A_36 = arith.constant 0 : i32
        %add3A_37 = arith.addi %add3A_36, %mul3A_35 : i32
        %broadcast_in_dim3A = arith.constant 1.000000e+00 : f32
        %broadcast_in_dim3A_38 = vector.broadcast %broadcast_in_dim3A : f32 to vector<16xf32>
        %swap3A = arith.index_cast %add3A_27 : i32 to index
        %swap3A_39 = arith.index_cast %add3A_37 : i32 to index
        %swap3A_40 = tpu.vector_load %arg6[%swap3A, %swap3A_39] {strides = array<i32>} : memref<128x128xf32, #tpu.memory_space<vmem>>, vector<1x16xf32>,
        %swap3A_41 = vector.shape_cast %swap3A_40 : vector<1x16xf32> to vector<16xf32>
        %swap3A_42 = vector.shape_cast %broadcast_in_dim3A_38 : vector<16xf32> to vector<1x16xf32>
        tpu.vector_store %arg6[%swap3A, %swap3A_39], %swap3A_42 {strides = array<i32>} : memref<128x128xf32, #tpu.memory_space<vmem>>, vector<1x16xf32>,
      }
      %scan3A_32 = arith.constant 8 : i32
    }
    %scan3A_9 = arith.constant 128 : i32
    %mul3A_10 = arith.constant 640 : i32
    %mul3A_11 = arith.muli %arg1, %mul3A_10 : i32
    %scan3A_12 = arith.constant 0 : i32
    %scan3A_13 = arith.constant 20 : i32
    %scan3A_14 = arith.addi %scan3A_12, %scan3A_13 : i32
    %scan3A_15 = arith.constant 1 : i32
    scf.for %scan3A_23 = %scan3A_12 to %scan3A_14 step %scan3A_15  : i32 {
      %mul3A_24 = arith.constant 32 : i32
      %mul3A_25 = arith.muli %scan3A_23, %mul3A_24 : i32
      %add3A_26 = arith.constant 0 : i32
      %add3A_27 = arith.addi %add3A_26, %mul3A_25 : i32
      %add3A_28 = arith.addi %mul3A_11, %add3A_27 : i32
      "tpu.region"() ({
        %run_scoped3A = tpu.sem_alloc : memref<!tpu.dma_semaphore, #tpu.memory_space<semaphore_mem>>
        %dma_start3A = arith.constant 0 : i32
        %dma_start3A_29 = tpu.memref_slice %arg7[%add3A_28, %dma_start3A] : memref<10240x128xf32, #tpu.memory_space<vmem_shared>> -> memref<32x128xf32, #tpu.memory_space<vmem_shared>>
        %dma_start3A_30 = arith.constant 0 : i32
        %dma_start3A_31 = tpu.memref_slice %arg7[%add3A_28, %dma_start3A_30] : memref<10240x128xf32, #tpu.memory_space<vmem_shared>> -> memref<32x128xf32, #tpu.memory_space<vmem_shared>>
        tpu.enqueue_dma source(%arg5 : memref<32x128xf32, #tpu.memory_space<vmem>>) target(%dma_start3A_31 : memref<32x128xf32, #tpu.memory_space<vmem_shared>>) target_semaphore(%run_scoped3A : memref<!tpu.dma_semaphore, #tpu.memory_space<semaphore_mem>>)
        %dma_wait3A = arith.constant 0 : i32
        %dma_wait3A_32 = tpu.memref_slice %arg7[%add3A_28, %dma_wait3A] : memref<10240x128xf32, #tpu.memory_space<vmem_shared>> -> memref<32x128xf32, #tpu.memory_space<vmem_shared>>
        %dma_wait3A_33 = arith.constant 0 : i32
        %dma_wait3A_34 = tpu.memref_slice %arg7[%add3A_28, %dma_wait3A_33] : memref<10240x128xf32, #tpu.memory_space<vmem_shared>> -> memref<32x128xf32, #tpu.memory_space<vmem_shared>>
        tpu.wait_dma2 semaphore(%run_scoped3A : memref<!tpu.dma_semaphore, #tpu.memory_space<semaphore_mem>>) src(%arg5 : memref<32x128xf32, #tpu.memory_space<vmem>>) dst(%dma_wait3A_34 : memref<32x128xf32, #tpu.memory_space<vmem_shared>>)
        tpu.yield
      }) : () -> ()
    }
    %scan3A_16 = arith.constant 20 : i32
    %barrier3A = arith.constant 0 : index
    tpu.barrier barrier_id(%barrier3A)
    "tpu.region"() ({
      %run_scoped3A = tpu.sem_alloc : memref<!tpu.dma_semaphore, #tpu.memory_space<semaphore_mem>>
      %dma_start3A = arith.constant 0 : i32
      %dma_start3A_23 = arith.constant 0 : i32
      %dma_start3A_24 = tpu.memref_slice %arg2[%add3A, %dma_start3A, %dma_start3A_23] : memref<32x80x128xi32, #tpu.memory_space<hbm>> -> memref<1x80x128xi32, #tpu.memory_space<hbm>>
      %dma_start3A_25 = tpu.memref_squeeze %dma_start3A_24 : memref<1x80x128xi32, #tpu.memory_space<hbm>> -> memref<80x128xi32, #tpu.memory_space<hbm>>
      %dma_start3A_26 = arith.constant 0 : i32
      %dma_start3A_27 = arith.constant 0 : i32
      %dma_start3A_28 = tpu.memref_slice %arg2[%add3A, %dma_start3A_26, %dma_start3A_27] : memref<32x80x128xi32, #tpu.memory_space<hbm>> -> memref<1x80x128xi32, #tpu.memory_space<hbm>>
      %dma_start3A_29 = tpu.memref_squeeze %dma_start3A_28 : memref<1x80x128xi32, #tpu.memory_space<hbm>> -> memref<80x128xi32, #tpu.memory_space<hbm>>
      tpu.enqueue_dma source(%dma_start3A_29 : memref<80x128xi32, #tpu.memory_space<hbm>>) target(%arg4 : memref<80x128xi32, #tpu.memory_space<vmem>>) target_semaphore(%run_scoped3A : memref<!tpu.dma_semaphore, #tpu.memory_space<semaphore_mem>>)
      %dma_wait3A = arith.constant 0 : i32
      %dma_wait3A_30 = arith.constant 0 : i32
      %dma_wait3A_31 = tpu.memref_slice %arg2[%add3A, %dma_wait3A, %dma_wait3A_30] : memref<32x80x128xi32, #tpu.memory_space<hbm>> -> memref<1x80x128xi32, #tpu.memory_space<hbm>>
      %dma_wait3A_32 = tpu.memref_squeeze %dma_wait3A_31 : memref<1x80x128xi32, #tpu.memory_space<hbm>> -> memref<80x128xi32, #tpu.memory_space<hbm>>
      %dma_wait3A_33 = arith.constant 0 : i32
      %dma_wait3A_34 = arith.constant 0 : i32
      %dma_wait3A_35 = tpu.memref_slice %arg2[%add3A, %dma_wait3A_33, %dma_wait3A_34] : memref<32x80x128xi32, #tpu.memory_space<hbm>> -> memref<1x80x128xi32, #tpu.memory_space<hbm>>
      %dma_wait3A_36 = tpu.memref_squeeze %dma_wait3A_35 : memref<1x80x128xi32, #tpu.memory_space<hbm>> -> memref<80x128xi32, #tpu.memory_space<hbm>>
      tpu.wait_dma2 semaphore(%run_scoped3A : memref<!tpu.dma_semaphore, #tpu.memory_space<semaphore_mem>>) src(%dma_wait3A_36 : memref<80x128xi32, #tpu.memory_space<hbm>>) dst(%arg4 : memref<80x128xi32, #tpu.memory_space<vmem>>)
      tpu.yield
    }) : () -> ()
    %scan3A_17 = arith.constant 0 : i32
    %scan3A_18 = arith.constant 80 : i32
    %scan3A_19 = arith.addi %scan3A_17, %scan3A_18 : i32
    %scan3A_20 = arith.constant 1 : i32
    scf.for %scan3A_23 = %scan3A_17 to %scan3A_19 step %scan3A_20  : i32 {
      %mul3A_24 = arith.constant 1 : i32
      %mul3A_25 = arith.muli %scan3A_23, %mul3A_24 : i32
      %add3A_26 = arith.constant 0 : i32
      %add3A_27 = arith.addi %add3A_26, %mul3A_25 : i32
      "tpu.region"() ({
        %run_scoped3A = tpu.sem_alloc : memref<!tpu.dma_semaphore, #tpu.memory_space<semaphore_mem>>
        %dma_start3A = arith.constant 0 : i32
        %dma_start3A_28 = tpu.memref_slice %arg4[%add3A_27, %dma_start3A] : memref<80x128xi32, #tpu.memory_space<vmem>> -> memref<1x128xi32, #tpu.memory_space<vmem>>
        %dma_start3A_29 = tpu.memref_squeeze %dma_start3A_28 : memref<1x128xi32, #tpu.memory_space<vmem>> -> memref<128xi32, #tpu.memory_space<vmem>>
        %dma_start3A_30 = arith.constant 0 : i32
        %dma_start3A_31 = arith.constant 0 : i32
        %dma_start3A_32 = tpu.memref_slice %arg7[%dma_start3A_30, %dma_start3A_31] : memref<10240x128xf32, #tpu.memory_space<vmem_shared>> -> memref<10240x128xf32, #tpu.memory_space<vmem_shared>>
        tpu.enqueue_indirect_dma source(%arg6 : memref<128x128xf32, #tpu.memory_space<vmem>>) target(%dma_start3A_32 : memref<10240x128xf32, #tpu.memory_space<vmem_shared>>) offsets(%dma_start3A_29 : memref<128xi32, #tpu.memory_space<vmem>>) semaphore(%run_scoped3A : memref<!tpu.dma_semaphore, #tpu.memory_space<semaphore_mem>>) {add = true}
        %dma_wait3A = arith.constant 0 : i32
        %dma_wait3A_33 = tpu.memref_slice %arg4[%add3A_27, %dma_wait3A] : memref<80x128xi32, #tpu.memory_space<vmem>> -> memref<1x128xi32, #tpu.memory_space<vmem>>
        %dma_wait3A_34 = tpu.memref_squeeze %dma_wait3A_33 : memref<1x128xi32, #tpu.memory_space<vmem>> -> memref<128xi32, #tpu.memory_space<vmem>>
        %dma_wait3A_35 = arith.constant 0 : i32
        %dma_wait3A_36 = arith.constant 0 : i32
        %dma_wait3A_37 = tpu.memref_slice %arg7[%dma_wait3A_35, %dma_wait3A_36] : memref<10240x128xf32, #tpu.memory_space<vmem_shared>> -> memref<10240x128xf32, #tpu.memory_space<vmem_shared>>
        tpu.wait_indirect_dma semaphore(%run_scoped3A : memref<!tpu.dma_semaphore, #tpu.memory_space<semaphore_mem>>) src(%arg6 : memref<128x128xf32, #tpu.memory_space<vmem>>) dst(%dma_wait3A_37 : memref<10240x128xf32, #tpu.memory_space<vmem_shared>>)
        tpu.yield
      }) : () -> ()
    }
    %scan3A_21 = arith.constant 80 : i32
    %barrier3A_22 = arith.constant 0 : index
    tpu.barrier barrier_id(%barrier3A_22)
    "tpu.region"() ({
      %run_scoped3A = tpu.sem_alloc : memref<!tpu.dma_semaphore, #tpu.memory_space<semaphore_mem>>
      %dma_start3A = arith.constant 0 : i32
      %dma_start3A_23 = tpu.memref_slice %arg3[%arg0, %mul3A_11, %dma_start3A] : memref<2x10240x128xf32, #tpu.memory_space<hbm>> -> memref<1x640x128xf32, #tpu.memory_space<hbm>>
      %dma_start3A_24 = tpu.memref_squeeze %dma_start3A_23 : memref<1x640x128xf32, #tpu.memory_space<hbm>> -> memref<640x128xf32, #tpu.memory_space<hbm>>
      %dma_start3A_25 = arith.constant 0 : i32
      %dma_start3A_26 = tpu.memref_slice %arg7[%mul3A_11, %dma_start3A_25] : memref<10240x128xf32, #tpu.memory_space<vmem_shared>> -> memref<640x128xf32, #tpu.memory_space<vmem_shared>>
      tpu.enqueue_dma source(%dma_start3A_26 : memref<640x128xf32, #tpu.memory_space<vmem_shared>>) target(%dma_start3A_24 : memref<640x128xf32, #tpu.memory_space<hbm>>) target_semaphore(%run_scoped3A : memref<!tpu.dma_semaphore, #tpu.memory_space<semaphore_mem>>)
      %dma_wait3A = arith.constant 0 : i32
      %dma_wait3A_27 = tpu.memref_slice %arg3[%arg0, %mul3A_11, %dma_wait3A] : memref<2x10240x128xf32, #tpu.memory_space<hbm>> -> memref<1x640x128xf32, #tpu.memory_space<hbm>>
      %dma_wait3A_28 = tpu.memref_squeeze %dma_wait3A_27 : memref<1x640x128xf32, #tpu.memory_space<hbm>> -> memref<640x128xf32, #tpu.memory_space<hbm>>
      %dma_wait3A_29 = arith.constant 0 : i32
      %dma_wait3A_30 = tpu.memref_slice %arg7[%mul3A_11, %dma_wait3A_29] : memref<10240x128xf32, #tpu.memory_space<vmem_shared>> -> memref<640x128xf32, #tpu.memory_space<vmem_shared>>
      tpu.wait_dma2 semaphore(%run_scoped3A : memref<!tpu.dma_semaphore, #tpu.memory_space<semaphore_mem>>) src(%dma_wait3A_30 : memref<640x128xf32, #tpu.memory_space<vmem_shared>>) dst(%dma_wait3A_28 : memref<640x128xf32, #tpu.memory_space<hbm>>)
      tpu.yield
    }) : () -> ()
    return
  }
}

module attributes {stable_mosaic.version = 14 : i64} {
  func.func @_scale_body(%arg0: i32, %arg1: memref<400x128xf32, #tpu.memory_space<vmem>>, %arg2: memref<128x128xf32, #tpu.memory_space<vmem>>, %arg3: memref<1x400x128xf32, #tpu.memory_space<vmem>>, %arg4: memref<1x400x128xf32, #tpu.memory_space<vmem>>, %arg5: memref<400x128xf32, #tpu.memory_space<vmem>>) attributes {dimension_semantics = [#tpu.dimension_semantics<arbitrary>], iteration_bounds = array<i64: 25>, scalar_prefetch = 0 : i64, scratch_operands = 0 : i64, tpu.core_type = #tpu.core_type<tc>, window_params = [{transform_indices = @transform_0, window_bounds = array<i64: 400, 128>}, {pipeline_mode = #tpu.pipeline_mode<synchronous>, transform_indices = @transform_1, window_bounds = array<i64: 128, 128>}, {transform_indices = @transform_2, window_bounds = array<i64: 1, 400, 128>}, {transform_indices = @transform_3, window_bounds = array<i64: 1, 400, 128>}, {transform_indices = @transform_4, window_bounds = array<i64: 400, 128>}]} {
    %get3A = arith.constant 0 : index
    %get3A_0 = arith.constant 0 : index
    %get3A_1 = arith.constant 0 : index
    %get3A_2 = vector.load %arg3[%get3A, %get3A_0, %get3A_1] : memref<1x400x128xf32, #tpu.memory_space<vmem>>, vector<1x400x1xf32>
    %get3A_3 = vector.shape_cast %get3A_2 : vector<1x400x1xf32> to vector<400x1xf32>
    %get3A_4 = arith.constant 0 : index
    %get3A_5 = arith.constant 0 : index
    %get3A_6 = arith.constant 0 : index
    %get3A_7 = vector.load %arg4[%get3A_4, %get3A_5, %get3A_6] : memref<1x400x128xf32, #tpu.memory_space<vmem>>, vector<1x400x1xf32>
    %get3A_8 = vector.shape_cast %get3A_7 : vector<1x400x1xf32> to vector<400x1xf32>
    %add3A = arith.addf %get3A_3, %get3A_8 : vector<400x1xf32>
    %add3A_9 = arith.constant 1.000000e+00 : f32
    %add3A_10 = vector.broadcast %add3A_9 : f32 to vector<400x1xf32>
    %add3A_11 = arith.addf %add3A, %add3A_10 : vector<400x1xf32>
    %rsqrt3A = math.rsqrt %add3A_11 : vector<400x1xf32>
    %get3A_12 = arith.constant 0 : index
    %get3A_13 = arith.constant 0 : index
    %get3A_14 = vector.load %arg1[%get3A_12, %get3A_13] : memref<400x128xf32, #tpu.memory_space<vmem>>, vector<400x128xf32>
    %get3A_15 = arith.constant 0 : index
    %get3A_16 = arith.constant 0 : index
    %get3A_17 = vector.load %arg2[%get3A_15, %get3A_16] : memref<128x128xf32, #tpu.memory_space<vmem>>, vector<128x128xf32>
    %dot_general3A = arith.constant dense<0.000000e+00> : vector<400x128xf32>
    %dot_general3A_18 = tpu.matmul %get3A_14, %get3A_17, %dot_general3A {dimension_numbers = #tpu.dot_dimension_numbers<[1], [0], [0], [1], [0, 0, 1, 1], [], []>, transpose_lhs_hint = false} : vector<400x128xf32>, vector<128x128xf32>, vector<400x128xf32> -> vector<400x128xf32>
    %mul3A = vector.broadcast %rsqrt3A : vector<400x1xf32> to vector<400x128xf32>
    %mul3A_19 = arith.mulf %dot_general3A_18, %mul3A : vector<400x128xf32>
    %swap3A = arith.constant 0 : index
    %swap3A_20 = arith.constant 0 : index
    %swap3A_21 = vector.load %arg5[%swap3A, %swap3A_20] : memref<400x128xf32, #tpu.memory_space<vmem>>, vector<400x128xf32>
    tpu.vector_store %arg5[%swap3A, %swap3A_20], %mul3A_19 {strides = array<i32>} : memref<400x128xf32, #tpu.memory_space<vmem>>, vector<400x128xf32>,
    return
  }
  func.func @transform_0(%arg0: i32) -> (i32, i32) {
    %c0_i32 = arith.constant 0 : i32
    %c0_i32_0 = arith.constant 0 : i32
    return %arg0, %c0_i32 : i32, i32
  }
  func.func @transform_1(%arg0: i32) -> (i32, i32) {
    %c0_i32 = arith.constant 0 : i32
    %c0_i32_0 = arith.constant 0 : i32
    %c0_i32_1 = arith.constant 0 : i32
    return %c0_i32, %c0_i32_0 : i32, i32
  }
  func.func @transform_2(%arg0: i32) -> (i32, i32, i32) {
    %c0_i32 = arith.constant 0 : i32
    %c0_i32_0 = arith.constant 0 : i32
    %c0_i32_1 = arith.constant 0 : i32
    return %c0_i32, %arg0, %c0_i32_0 : i32, i32, i32
  }
  func.func @transform_3(%arg0: i32) -> (i32, i32, i32) {
    %c1_i32 = arith.constant 1 : i32
    %c0_i32 = arith.constant 0 : i32
    %c0_i32_0 = arith.constant 0 : i32
    return %c1_i32, %arg0, %c0_i32 : i32, i32, i32
  }
  func.func @transform_4(%arg0: i32) -> (i32, i32) {
    %c0_i32 = arith.constant 0 : i32
    %c0_i32_0 = arith.constant 0 : i32
    return %arg0, %c0_i32 : i32, i32
  }
}

module attributes {stable_mosaic.version = 14 : i64} {
  func.func @_out_body(%arg0: i32, %arg1: memref<1x400x128xf32, #tpu.memory_space<vmem>>, %arg2: memref<1x400x128xf32, #tpu.memory_space<vmem>>, %arg3: memref<400x128xf32, #tpu.memory_space<vmem>>, %arg4: memref<1x400x128xf32, #tpu.memory_space<vmem>>, %arg5: memref<1x400x128xf32, #tpu.memory_space<vmem>>, %arg6: memref<1x128xf32, #tpu.memory_space<vmem>>, %arg7: memref<400x128xf32, #tpu.memory_space<vmem>>) attributes {dimension_semantics = [#tpu.dimension_semantics<arbitrary>], iteration_bounds = array<i64: 25>, scalar_prefetch = 0 : i64, scratch_operands = 0 : i64, tpu.core_type = #tpu.core_type<tc>, window_params = [{transform_indices = @transform_0, window_bounds = array<i64: 1, 400, 128>}, {transform_indices = @transform_1, window_bounds = array<i64: 1, 400, 128>}, {transform_indices = @transform_2, window_bounds = array<i64: 400, 128>}, {transform_indices = @transform_3, window_bounds = array<i64: 1, 400, 128>}, {transform_indices = @transform_4, window_bounds = array<i64: 1, 400, 128>}, {pipeline_mode = #tpu.pipeline_mode<synchronous>, transform_indices = @transform_5, window_bounds = array<i64: 1, 128>}, {transform_indices = @transform_6, window_bounds = array<i64: 400, 128>}]} {
    %get3A = arith.constant 0 : index
    %get3A_0 = arith.constant 0 : index
    %get3A_1 = arith.constant 0 : index
    %get3A_2 = vector.load %arg4[%get3A, %get3A_0, %get3A_1] : memref<1x400x128xf32, #tpu.memory_space<vmem>>, vector<1x400x1xf32>
    %get3A_3 = vector.shape_cast %get3A_2 : vector<1x400x1xf32> to vector<400x1xf32>
    %get3A_4 = arith.constant 0 : index
    %get3A_5 = arith.constant 0 : index
    %get3A_6 = arith.constant 0 : index
    %get3A_7 = vector.load %arg5[%get3A_4, %get3A_5, %get3A_6] : memref<1x400x128xf32, #tpu.memory_space<vmem>>, vector<1x400x1xf32>
    %get3A_8 = vector.shape_cast %get3A_7 : vector<1x400x1xf32> to vector<400x1xf32>
    %add3A = arith.addf %get3A_3, %get3A_8 : vector<400x1xf32>
    %add3A_9 = arith.constant 1.000000e+00 : f32
    %add3A_10 = vector.broadcast %add3A_9 : f32 to vector<400x1xf32>
    %add3A_11 = arith.addf %add3A, %add3A_10 : vector<400x1xf32>
    %rsqrt3A = math.rsqrt %add3A_11 : vector<400x1xf32>
    %get3A_12 = arith.constant 0 : index
    %get3A_13 = arith.constant 0 : index
    %get3A_14 = arith.constant 0 : index
    %get3A_15 = vector.load %arg1[%get3A_12, %get3A_13, %get3A_14] : memref<1x400x128xf32, #tpu.memory_space<vmem>>, vector<1x400x128xf32>
    %get3A_16 = vector.shape_cast %get3A_15 : vector<1x400x128xf32> to vector<400x128xf32>
    %get3A_17 = arith.constant 0 : index
    %get3A_18 = arith.constant 0 : index
    %get3A_19 = arith.constant 0 : index
    %get3A_20 = vector.load %arg2[%get3A_17, %get3A_18, %get3A_19] : memref<1x400x128xf32, #tpu.memory_space<vmem>>, vector<1x400x128xf32>
    %get3A_21 = vector.shape_cast %get3A_20 : vector<1x400x128xf32> to vector<400x128xf32>
    %add3A_22 = arith.addf %get3A_16, %get3A_21 : vector<400x128xf32>
    %get3A_23 = arith.constant 0 : index
    %get3A_24 = arith.constant 0 : index
    %get3A_25 = vector.load %arg3[%get3A_23, %get3A_24] : memref<400x128xf32, #tpu.memory_space<vmem>>, vector<400x128xf32>
    %add3A_26 = arith.addf %add3A_22, %get3A_25 : vector<400x128xf32>
    %mul3A = vector.broadcast %rsqrt3A : vector<400x1xf32> to vector<400x128xf32>
    %mul3A_27 = arith.mulf %add3A_26, %mul3A : vector<400x128xf32>
    %get3A_28 = arith.constant 0 : index
    %get3A_29 = arith.constant 0 : index
    %get3A_30 = vector.load %arg6[%get3A_28, %get3A_29] : memref<1x128xf32, #tpu.memory_space<vmem>>, vector<1x128xf32>
    %add3A_31 = vector.broadcast %get3A_30 : vector<1x128xf32> to vector<400x128xf32>
    %add3A_32 = arith.addf %mul3A_27, %add3A_31 : vector<400x128xf32>
    %swap3A = arith.constant 0 : index
    %swap3A_33 = arith.constant 0 : index
    %swap3A_34 = vector.load %arg7[%swap3A, %swap3A_33] : memref<400x128xf32, #tpu.memory_space<vmem>>, vector<400x128xf32>
    tpu.vector_store %arg7[%swap3A, %swap3A_33], %add3A_32 {strides = array<i32>} : memref<400x128xf32, #tpu.memory_space<vmem>>, vector<400x128xf32>,
    return
  }
  func.func @transform_0(%arg0: i32) -> (i32, i32, i32) {
    %c0_i32 = arith.constant 0 : i32
    %c0_i32_0 = arith.constant 0 : i32
    %c0_i32_1 = arith.constant 0 : i32
    return %c0_i32, %arg0, %c0_i32_0 : i32, i32, i32
  }
  func.func @transform_1(%arg0: i32) -> (i32, i32, i32) {
    %c1_i32 = arith.constant 1 : i32
    %c0_i32 = arith.constant 0 : i32
    %c0_i32_0 = arith.constant 0 : i32
    return %c1_i32, %arg0, %c0_i32 : i32, i32, i32
  }
  func.func @transform_2(%arg0: i32) -> (i32, i32) {
    %c0_i32 = arith.constant 0 : i32
    %c0_i32_0 = arith.constant 0 : i32
    return %arg0, %c0_i32 : i32, i32
  }
  func.func @transform_3(%arg0: i32) -> (i32, i32, i32) {
    %c0_i32 = arith.constant 0 : i32
    %c0_i32_0 = arith.constant 0 : i32
    %c0_i32_1 = arith.constant 0 : i32
    return %c0_i32, %arg0, %c0_i32_0 : i32, i32, i32
  }
  func.func @transform_4(%arg0: i32) -> (i32, i32, i32) {
    %c1_i32 = arith.constant 1 : i32
    %c0_i32 = arith.constant 0 : i32
    %c0_i32_0 = arith.constant 0 : i32
    return %c1_i32, %arg0, %c0_i32 : i32, i32, i32
  }
  func.func @transform_5(%arg0: i32) -> (i32, i32) {
    %c0_i32 = arith.constant 0 : i32
    %c0_i32_0 = arith.constant 0 : i32
    %c0_i32_1 = arith.constant 0 : i32
    return %c0_i32, %c0_i32_0 : i32, i32
  }
  func.func @transform_6(%arg0: i32) -> (i32, i32) {
    %c0_i32 = arith.constant 0 : i32
    %c0_i32_0 = arith.constant 0 : i32
    return %arg0, %c0_i32 : i32, i32
  }
}

</mosaic_0001>

<sc_bundles>
// kernel: kernel.6.cloned.1.call-start
scs
__scs_entry_jumppad:
0x0: {  	(pc) =	sbr.rel $0x88, $3  }
0x1: {  	(tag) =	ssettag $0x0;
	lr =	simm.s32 $0x1  }
0x2: {  	[smem:$0x3F9D] =	sst lr;
	_ =	strace $0xD0000000  }
0x3: {  	_ = 	snop  }
0x4: {  	_ = 	snop  }
0x5: {  	_ = 	snop  }
0x6: {  	_ = 	snop  }
0x7: {  	_ = 	snop  }
__scs_overlays_trampoline_lowered:
0x8: {  	[smem:$0x3FAC] =	sst s0  }
0x9: {  	[smem:$0x3FAD] =	sst s1  }
0xa: {  	[smem:$0x3FAE] =	sst s2  }
0xb: {  	[smem:$0x3FAF] =	sst s3  }
0xc: {  	[smem:$0x3FB0] =	sst s4  }
0xd: {  	[smem:$0x3FB1] =	sst s5  }
0xe: {  	[smem:$0x3FB2] =	sst s6  }
0xf: {  	[smem:$0x3FB3] =	sst s7  }
0x10: {  	[smem:$0x3FB4] =	sst s8  }
0x11: {  	[smem:$0x3FB5] =	sst s9;
	s0 =	simm.s32 @!p0 $0x0  }
0x12: {  	s1 =	sld [smem:$0x3F9B];
	s0 =	simm.s32 @p0 $0x1  }
0x13: {  	[smem:$0x3FB6] =	sst s0;
	s0 =	simm.s32 @!p1 $0x0  }
0x14: {  	s2 =	sld [smem:$0x3F9A];
	s0 =	simm.s32 @p1 $0x1  }
0x15: {  	[smem:$0x3FB7] =	sst s0;
	s0 =	simm.s32 @!p2 $0x0  }
0x16: {  	s3 =	sld [smem:$0x3FDB];
	s0 =	simm.s32 @p2 $0x1  }
0x17: {  	s4 =	simm.s32 $0x1BF5;
	[smem:$0x3FB9] =	sst s0  }
0x18: {  	s0 =	sld [smem:$0x3F9C];
	_ =	swait.ge [sflag:s4], $0x0  }
0x19: {  	s7 =	sld [smem:$0x3F9D]  }
0x1a: {  	s8 =	sadd.s32 $0xFFFFE003, lr  }
0x1b: {  	s9 =	sadd.s32 $0xFFFFFEF7, lr;
	s5 =	simm.s32 $0xFFFFFFFF;
	p2 =	slt.u32 s8, $0xFFFFF086  }
0x1c: {  	p1 =	slt.u32 s9, $0xF7A;
	s5 =	simm.s32 @!p2 $0x0  }
0x1d: {  	s5 =	simm.s32 @p1 $0x1;
	p0 =	seq.s32 s7, s2  }
0x1e: {  	s7 =	smul.u32 @!p0 $0xF7A, s2;
	p2 =	seq.s32 @!p0 s5, $0x0  }
0x1f: {  	s9 =	smul.u32 $0xF7A, s1;
	s8 =	simm.s32 @!p0 $0x1BF5;
	p2 =	por !p2, p0  }
0x20: {  	[sflag:s8] =	ssyncset.s32 @!p0 $0xFFFFF086;
	s6 =	sadd.s32 @!p0 s3, s7;
	s7 =	simm.s32 @!p0 $0x108  }
0x21: {  	s3 =	sadd.s32 s3, s9;
	s6 =	sadd.s32 @!p0 $0x88, s6;
	s7 =	simm.s32 @p2 $0x1082  }
0x22: {  	[simem:s7], [sflag:s8] =	dma.local @!p0 [hbm:s6], $0xF7A  }
0x23: {  	s9 =	sor.u32 $0xD0000000, s2;
	s6 =	simm.s32 $0x108;
	_ =	swait.ge @!p0 [sflag:s8], $0x0  }
0x24: {  	s3 =	sadd.s32 $0x88, s3;
	s6 =	simm.s32 @!p1 $0x1082;
	[sflag:s4] =	ssyncset.s32 $0xFFFFF086  }
0x25: {  	[simem:s6], [sflag:s4] =	dma.local [hbm:s3], $0xF7A  }
0x26: {  	[smem:$0x3F9D] =	sst s1;
	(tag) =	ssettag s2;
	_ =	strace s9  }
0x27: {  	s1 =	sld [smem:$0x3FAD]  }
0x28: {  	s2 =	sld [smem:$0x3FAE]  }
0x29: {  	s4 =	sld [smem:$0x3FB0]  }
0x2a: {  	p0 =	seq.s32 s5, $0x0;
	s5 =	sld [smem:$0x3FB1]  }
0x2b: {  	s6 =	sld [smem:$0x3FB2]  }
0x2c: {  	s7 =	sld [smem:$0x3FB3]  }
0x2d: {  	s3 =	simm.s32 $0x108;
	s8 =	sld [smem:$0x3FB4]  }
0x2e: {  	s3 =	simm.s32 @!p0 $0x1082;
	s9 =	sld [smem:$0x3FB5]  }
0x2f: {  	lr =	sadd.s32 s0, s3;
	s0 =	sld [smem:$0x3FAC]  }
0x30: {  	s3 =	sld [smem:$0x3FAF]  }
0x31: {  	[smem:$0x3FB8] =	sst s10  }
0x32: {  	s10 =	sld [smem:$0x3FB6];
	_ =	sdelay $0x3  }
0x33: {  	p0 =	seq.s32 s10, $0x1;
	s10 =	sld [smem:$0x3FB8];
	_ =	sdelay $0x3  }
0x34: {  	[smem:$0x3FB8] =	sst s10  }
0x35: {  	s10 =	sld [smem:$0x3FB7];
	_ =	sdelay $0x3  }
0x36: {  	p1 =	seq.s32 s10, $0x1;
	s10 =	sld [smem:$0x3FB8];
	_ =	sdelay $0x3  }
0x37: {  	[smem:$0x3FB8] =	sst s10  }
0x38: {  	s10 =	sld [smem:$0x3FB9]  }
0x39: {  	_ = 	snop;
	(pc) =	sbr.ind lr, $3  }
0x3a: {  	_ = 	snop  }
0x3b: {  	_ = 	snop  }
0x3c: {  	p2 =	seq.s32 s10, $0x1;
	s10 =	sld [smem:$0x3FB8]  }
0x3d: {  	_ =	shalt  }
0x3e: {  	_ =	shalt  }
0x3f: {  	_ =	shalt  }
0x40: {  	_ =	shalt  }
0x41: {  	_ =	shalt  }
0x42: {  	_ =	shalt  }
0x43: {  	_ =	shalt  }
0x44: {  	_ =	shalt  }
0x45: {  	_ =	shalt  }
0x46: {  	_ =	shalt  }
0x47: {  	_ =	shalt  }
0x48: {  	_ =	shalt  }
0x49: {  	_ =	shalt  }
0x4a: {  	_ =	shalt  }
0x4b: {  	_ =	shalt  }
0x4c: {  	_ =	shalt  }
0x4d: {  	_ =	shalt  }
0x4e: {  	_ =	shalt  }
0x4f: {  	_ =	shalt  }
0x50: {  	_ =	shalt  }
0x51: {  	_ =	shalt  }
0x52: {  	_ =	shalt  }
0x53: {  	_ =	shalt  }
0x54: {  	_ =	shalt  }
0x55: {  	_ =	shalt  }
0x56: {  	_ =	shalt  }
0x57: {  	_ =	shalt  }
0x58: {  	_ =	shalt  }
0x59: {  	_ =	shalt  }
0x5a: {  	_ =	shalt  }
0x5b: {  	_ =	shalt  }
0x5c: {  	_ =	shalt  }
0x5d: {  	_ =	shalt  }
0x5e: {  	_ =	shalt  }
0x5f: {  	_ =	shalt  }
0x60: {  	_ =	shalt  }
0x61: {  	_ =	shalt  }
0x62: {  	_ =	shalt  }
0x63: {  	_ =	shalt  }
0x64: {  	_ =	shalt  }
0x65: {  	_ =	shalt  }
0x66: {  	_ =	shalt  }
0x67: {  	_ =	shalt  }
0x68: {  	_ =	shalt  }
0x69: {  	_ =	shalt  }
0x6a: {  	_ =	shalt  }
0x6b: {  	_ =	shalt  }
0x6c: {  	_ =	shalt  }
0x6d: {  	_ =	shalt  }
0x6e: {  	_ =	shalt  }
0x6f: {  	_ =	shalt  }
0x70: {  	_ =	shalt  }
0x71: {  	_ =	shalt  }
0x72: {  	_ =	shalt  }
0x73: {  	_ =	shalt  }
0x74: {  	_ =	shalt  }
0x75: {  	_ =	shalt  }
0x76: {  	_ =	shalt  }
0x77: {  	_ =	shalt  }
0x78: {  	_ =	shalt  }
0x79: {  	_ =	shalt  }
0x7a: {  	_ =	shalt  }
0x7b: {  	_ =	shalt  }
0x7c: {  	_ =	shalt  }
0x7d: {  	_ =	shalt  }
0x7e: {  	_ =	shalt  }
0x7f: {  	_ =	shalt  }
0x80: {  	_ =	shalt  }
0x81: {  	_ =	shalt  }
0x82: {  	_ =	shalt  }
0x83: {  	_ =	shalt  }
0x84: {  	_ =	shalt  }
0x85: {  	_ =	shalt  }
0x86: {  	_ =	shalt  }
0x87: {  	_ =	shalt  }
.Lfunc_end0:
.L_simem_size_0:
called_computation_lowered:
.L_overlay_start_0:
0x88: {  	s2 =	sld [smem:$0x3FD9]  }
0x89: {  	s3 =	sld [smem:$0x3FFE];
	_ =	sdelay $0x1  }
0x8a: {  	s1 =	srdreg.scid  }
0x8b: {  	s0 =	sand.u32 $0x1, s1  }
0x8c: {  	s17 =	sshll.u32 s0, $0xA;
	s2 =	sadd.s32 s3, s2  }
0x8d: {  	s2 =	sadd.s32 s2, s17  }
0x8e: {  	[smem:$0x3FC4] =	sst s2  }
0x8f: {  	_ = 	snop  }
0x90: {  	s2 =	sld [smem:$0x3FD0];
	(tm) =	ssettm $0x1  }
0x91: {  	s18 =	sld [smem:$0x3FFB];
	_ =	sdelay $0x3  }
0x92: {  	_ =	strace s18  }
0x93: {  	s3 =	sld [smem:$0x3FFC];
	_ =	sdelay $0x3  }
0x94: {  	_ =	strace s3  }
0x95: {  	s3 =	sld [smem:$0x3FFD];
	_ =	sdelay $0x3  }
0x96: {  	_ =	strace s3  }
0x97: {  	_ =	strace $0x8FFFFFFF  }
0x98: {  	s19 =	sld [smem:$0x3FDB];
	_ =	sdelay $0x1  }
0x99: {  	s4 =	simm.s32 $_scs_section_size  }
0x9a: {  	s5 =	simm.s32 $_size__tile_overlayer_lowered;
	s6 =	simm.s32 $_tile_overlayer_lowered  }
0x9b: {  	s22 =	simm.s32 $0x1BFF;
	s21 =	sshll.u32 s6, $0x1;
	s3 =	sadd.s32 s4, s19  }
0x9c: {  	s7 =	simm.s32 $0x0;
	s20 =	sshll.u32 s5, $0x1;
	s5 =	sadd.s32 s21, s3  }
0x9d: {  	[timem:s7], [sflag:s22] =	dma.local [hbm:s5], s20  }
0x9e: {  	_ =	swait.ge [sflag:s22], s20  }
0x9f: {  	s4 =	ssub.s32 $0x0, s20;
	[sflag:s22] =	ssyncset.done $0x0  }
0xa0: {  	[sflag:s22] =	ssyncadd.s32 s4;
	_ =	sdelay $0x1  }
0xa1: {  	s23 =	simm.s32 $0x1B8B  }
0xa2: {  	_ =	swait.ge [sflag:s23], $0x1  }
0xa3: {  	[sflag:s23] =	ssyncset.done $0x0  }
0xa4: {  	s25 =	simm.s32 $0x1B8E;
	s24 =	sld [smem:$0x3FFE];
	[sflag:s23] =	ssyncadd.s32 $0xFFFFFFFF  }
0xa5: {  	s26 =	simm.s32 $execute0_lowered;
	[smem:$0x3FD2] =	sst s25  }
0xa6: {  	s5 =	sshll.u32 s26, $0x1;
	_ =	strace $0x80000046;
	[dreg:$0x1] =	wrdreg $0xFFFFFFFF  }
0xa7: {  	s28 =	simm.s32 $_size_execute0_lowered;
	s3 =	sadd.s32 s3, s5;
	[dreg:$0x0] =	wrdreg $0x0  }
0xa8: {  	s5 =	sshll.u32 s28, $0x1;
	[dreg:$0x2] =	wrdreg s3  }
0xa9: {  	[dreg:$0x3] =	wrdreg s5  }
0xaa: {  	[dreg:$0x4] =	wrdreg $0xC0  }
0xab: {  	_ =	task [dreg:s7], $0x5FFFF  }
0xac: {  	[dreg:$0x1] =	wrdreg $0xFFFFFFFF  }
0xad: {  	[dreg:$0x0] =	wrdreg $0x60  }
0xae: {  	[dreg:$0x2] =	wrdreg s2  }
0xaf: {  	[dreg:$0x3] =	wrdreg s24  }
0xb0: {  	[dreg:$0x4] =	wrdreg $0x78000  }
0xb1: {  	[dreg:$0x5] =	wrdreg $0x9  }
0xb2: {  	_ =	task.clear_ibuf [dreg:s7], $0x6FFFF;
	_ =	strace $0x90000046  }
0xb3: {  	s29 =	simm.s32 $0x9;
	_ =	strace $0x80000048  }
0xb4: {  	_ =	swait.ge [sflag:s29], $0x1  }
0xb5: {  	[sflag:s29] =	ssyncadd.s32 $0xFFFFFFFF  }
0xb6: {  	_ =	strace $0x90000048  }
0xb7: {  	_ =	sfence  }
0xb8: {  	s30 =	sld [smem:$0x0];
	_ =	sdelay $0x2  }
0xb9: {  	s31 =	sshll.u32 s1, $0xD;
	s1 =	sshrl.u32 s1, $0x2  }
0xba: {  	s3 =	sand.u32 $0x4000, s31;
	s1 =	sadd.s32 s1, s30  }
0xbb: {  	s0 =	sor.u32 s3, s0;
	s1 =	sshll.u32 s1, $0x11  }
0xbc: {  	s0 =	sor.u32 s1, s0  }
0xbd: {  	s0 =	sadd.s32 $0x8F2B, s0  }
0xbe: {  	[sflag:s0] =	ssyncadd.remote.s32 $0x1  }
0xbf: {  	_ =	sfence.sel $0xFFFF  }
0xc0: {  	[dreg:$0x0] =	wrdreg $0xFFFFFFFF;
	(pc) =	sbr.abs _section_cstart, $3  }
0xc1: {  	[dreg:$0x1] =	wrdreg $0xFFFFFFFF  }
0xc2: {  	_ =	task.clear_ibuf [dreg:s7], $0x2FFFF;
	_ =	strace $0x9FFFFFFF  }
0xc3: {  	(tm) =	ssettm $0x7FFFFFFF  }
tec
execute0_lowered:
.L_overlay_start_1:
0x0: {  	(tag) =	ssettag $0x1  }
0x1: {  	s0 =	rddreg [dreg:$0x0]  }
0x2: {  	s1 =	rddreg [dreg:$0x1]  }
0x3: {  	s3 =	srdreg.scid;
	s2 =	rddreg [dreg:$0x2]  }
0x4: {  	s8 =	stileid.u32;
	s28 =	simm.s32 $0x2800;
	s29 =	simm.s32 $0x1  }
0x5: {  	s30 =	simm.s32 $0x80;
	s31 =	simm.s32 $0x3800;
	s6 =	smul.u32 $0x14000, s8  }
0x6: {  	s4 =	sand.u32 $0x1, s3;
	s3 =	simm.s32 $0x0;
	s24 =	smul.u32 $0x50000, s8  }
0x7: {  	s23 =	sshll.u32 s8, $0x1;
	s5 =	smul.u32 $0x140000, s4;
	[smem:$0x7FF] =	sst s3  }
0x8: {  	s7 =	ssub.s32 $0x2, s4;
	s4 =	sor.u32 s4, s23;
	_ =	strace $0x80000047  }
0x9: {  	s25 =	sshrl.u32 s7, $0x1;
	s9 =	smul.u32 $0x500, s4;
	s26 =	sshrl.u32 s24, $0x2  }
0xa: {  	s5 =	sadd.s32 s6, s5;
	s7 =	ssub.s32 s7, s25;
	s4 =	sadd.s32 s26, s2  }
0xb: {  	s5 =	sshrl.u32 s5, $0x3;
	s7 =	smax.u32 s7, $0x1;
	s8 =	sadd.s32 $0x1000, s4  }
0xc: {  	s10 =	sadd.s32 $0x3000, s4;
	s11 =	sadd.s32 $0x4000, s4;
	s12 =	sadd.s32 $0x5000, s4  }
0xd: {  	s13 =	sadd.s32 $0x6000, s4;
	s14 =	sadd.s32 $0x7000, s4;
	s15 =	sadd.s32 $0x8000, s4  }
0xe: {  	s16 =	sadd.s32 $0x9000, s4;
	s17 =	sadd.s32 $0xA000, s4;
	s18 =	sadd.s32 $0xB000, s4  }
0xf: {  	s19 =	sadd.s32 $0xC000, s4;
	s20 =	sadd.s32 $0xD000, s4;
	s21 =	sadd.s32 $0xE000, s4  }
0x10: {  	s22 =	sadd.s32 $0xF000, s4;
	s23 =	sadd.s32 $0x10000, s4;
	s24 =	sadd.s32 $0x11000, s4  }
0x11: {  	s25 =	sadd.s32 $0x12000, s4;
	s26 =	sadd.s32 $0x13000, s4;
	s1 =	sadd.s32 s5, s1  }
0x12: {  	v0 =	vimm.f32 $0.0e+00;
	v1 =	vimm.f32 $1.000000000e+00;
	s5 =	sadd.s32 s0, s9;
	s9 =	sadd.s32 $0x2000, s4;
	s6 =	sadd.s32 $0x1E00, s1  }
.LBB2_1:
0x13: {  	s0 =	simm.s32 $0x0;
	s1 =	simm.s32 $0x200  }
.LBB2_2:
0x14: {  	p0 =	sne.s32 s1, $0x3E00;
	[tilespmem:s0+$0x2870] =	vst v0  }
0x15: {  	[tilespmem:s0+$0x2800] =	vst v0  }
0x16: {  	[tilespmem:s0+$0x2810] =	vst v0  }
.Ltmp0:
0x17: {  	[tilespmem:s0+$0x2820] =	vst v0;
	(pc) =	sbr.rel @p0 .LBB2_2-.Ltmp0, $4  }
0x18: {  	[tilespmem:s0+$0x2830] =	vst v0  }
0x19: {  	[tilespmem:s0+$0x2840] =	vst v0  }
0x1a: {  	[tilespmem:s0+$0x2850] =	vst v0  }
0x1b: {  	[tilespmem:s0+$0x2860] =	vst v0;
	s0 =	sshra.s32 s1, $0x2;
	s1 =	sadd.s32 $0x200, s1  }
0x1c: {  	[tilespmem:s0+$0x2870] =	vst v0  }
0x1d: {  	[tilespmem:s0+$0x2800] =	vst v0  }
0x1e: {  	[tilespmem:s0+$0x2810] =	vst v0  }
0x1f: {  	[tilespmem:s0+$0x2820] =	vst v0  }
0x20: {  	[tilespmem:s0+$0x2830] =	vst v0  }
0x21: {  	[tilespmem:s0+$0x2840] =	vst v0  }
0x22: {  	[tilespmem:s0+$0x2850] =	vst v0  }
0x23: {  	[tilespmem:s0+$0x2860] =	vst v0;
	s0 =	simm.s32 $0x0;
	s1 =	simm.s32 $0x200  }
.LBB2_4:
0x24: {  	p0 =	sne.s32 s1, $0xFE00;
	[tilespmem:s0+$0x3870] =	vst v1  }
0x25: {  	[tilespmem:s0+$0x3800] =	vst v1  }
0x26: {  	[tilespmem:s0+$0x3810] =	vst v1  }
.Ltmp1:
0x27: {  	[tilespmem:s0+$0x3820] =	vst v1;
	(pc) =	sbr.rel @p0 .LBB2_4-.Ltmp1, $4  }
0x28: {  	[tilespmem:s0+$0x3830] =	vst v1  }
0x29: {  	[tilespmem:s0+$0x3840] =	vst v1  }
0x2a: {  	[tilespmem:s0+$0x3850] =	vst v1  }
0x2b: {  	[tilespmem:s0+$0x3860] =	vst v1;
	s0 =	sshra.s32 s1, $0x2;
	s1 =	sadd.s32 $0x200, s1  }
0x2c: {  	[tilespmem:s0+$0x3870] =	vst v1  }
0x2d: {  	[tilespmem:s0+$0x3800] =	vst v1  }
0x2e: {  	[tilespmem:s0+$0x3810] =	vst v1  }
0x2f: {  	[tilespmem:s0+$0x3820] =	vst v1  }
0x30: {  	[tilespmem:s0+$0x3830] =	vst v1  }
0x31: {  	[tilespmem:s0+$0x3840] =	vst v1  }
0x32: {  	[tilespmem:s0+$0x3850] =	vst v1  }
0x33: {  	[tilespmem:s0+$0x3860] =	vst v1  }
0x34: {  	[spmem:s4] =	stream.linear.scatter [tilespmem:s28], [sflag:$0x1], $0x1000, $0x38;
	[tilespmem:$0x1B800] =	vst v63  }
0x35: {  	_ =	swait.ge [sflag:s29], $0x1000  }
0x36: {  	[sflag:s29] =	ssyncset.done $0x0  }
0x37: {  	[sflag:s29] =	ssyncadd.s32 $0xFFFFF000  }
0x38: {  	[spmem:s8] =	stream.linear.scatter [tilespmem:s28], [sflag:$0x1], $0x1000, $0x38;
	[tilespmem:$0x1B800] =	vst v63  }
0x39: {  	_ =	swait.ge [sflag:s29], $0x1000  }
0x3a: {  	[sflag:s29] =	ssyncset.done $0x0  }
0x3b: {  	[sflag:s29] =	ssyncadd.s32 $0xFFFFF000  }
0x3c: {  	[spmem:s9] =	stream.linear.scatter [tilespmem:s28], [sflag:$0x1], $0x1000, $0x38;
	[tilespmem:$0x1B800] =	vst v63  }
0x3d: {  	_ =	swait.ge [sflag:s29], $0x1000  }
0x3e: {  	[sflag:s29] =	ssyncset.done $0x0  }
0x3f: {  	[sflag:s29] =	ssyncadd.s32 $0xFFFFF000  }
0x40: {  	[spmem:s10] =	stream.linear.scatter [tilespmem:s28], [sflag:$0x1], $0x1000, $0x38;
	[tilespmem:$0x1B800] =	vst v63  }
0x41: {  	_ =	swait.ge [sflag:s29], $0x1000  }
0x42: {  	[sflag:s29] =	ssyncset.done $0x0  }
0x43: {  	[sflag:s29] =	ssyncadd.s32 $0xFFFFF000  }
0x44: {  	[spmem:s11] =	stream.linear.scatter [tilespmem:s28], [sflag:$0x1], $0x1000, $0x38;
	[tilespmem:$0x1B800] =	vst v63  }
0x45: {  	_ =	swait.ge [sflag:s29], $0x1000  }
0x46: {  	[sflag:s29] =	ssyncset.done $0x0  }
0x47: {  	[sflag:s29] =	ssyncadd.s32 $0xFFFFF000  }
0x48: {  	[spmem:s12] =	stream.linear.scatter [tilespmem:s28], [sflag:$0x1], $0x1000, $0x38;
	[tilespmem:$0x1B800] =	vst v63  }
0x49: {  	_ =	swait.ge [sflag:s29], $0x1000  }
0x4a: {  	[sflag:s29] =	ssyncset.done $0x0  }
0x4b: {  	[sflag:s29] =	ssyncadd.s32 $0xFFFFF000  }
0x4c: {  	[spmem:s13] =	stream.linear.scatter [tilespmem:s28], [sflag:$0x1], $0x1000, $0x38;
	[tilespmem:$0x1B800] =	vst v63  }
0x4d: {  	_ =	swait.ge [sflag:s29], $0x1000  }
0x4e: {  	[sflag:s29] =	ssyncset.done $0x0  }
0x4f: {  	[sflag:s29] =	ssyncadd.s32 $0xFFFFF000  }
0x50: {  	[spmem:s14] =	stream.linear.scatter [tilespmem:s28], [sflag:$0x1], $0x1000, $0x38;
	[tilespmem:$0x1B800] =	vst v63  }
0x51: {  	_ =	swait.ge [sflag:s29], $0x1000  }
0x52: {  	[sflag:s29] =	ssyncset.done $0x0  }
0x53: {  	[sflag:s29] =	ssyncadd.s32 $0xFFFFF000  }
0x54: {  	[spmem:s15] =	stream.linear.scatter [tilespmem:s28], [sflag:$0x1], $0x1000, $0x38;
	[tilespmem:$0x1B800] =	vst v63  }
0x55: {  	_ =	swait.ge [sflag:s29], $0x1000  }
0x56: {  	[sflag:s29] =	ssyncset.done $0x0  }
0x57: {  	[sflag:s29] =	ssyncadd.s32 $0xFFFFF000  }
0x58: {  	[spmem:s16] =	stream.linear.scatter [tilespmem:s28], [sflag:$0x1], $0x1000, $0x38;
	[tilespmem:$0x1B800] =	vst v63  }
0x59: {  	_ =	swait.ge [sflag:s29], $0x1000  }
0x5a: {  	[sflag:s29] =	ssyncset.done $0x0  }
0x5b: {  	[sflag:s29] =	ssyncadd.s32 $0xFFFFF000  }
0x5c: {  	[spmem:s17] =	stream.linear.scatter [tilespmem:s28], [sflag:$0x1], $0x1000, $0x38;
	[tilespmem:$0x1B800] =	vst v63  }
0x5d: {  	_ =	swait.ge [sflag:s29], $0x1000  }
0x5e: {  	[sflag:s29] =	ssyncset.done $0x0  }
0x5f: {  	[sflag:s29] =	ssyncadd.s32 $0xFFFFF000  }
0x60: {  	[spmem:s18] =	stream.linear.scatter [tilespmem:s28], [sflag:$0x1], $0x1000, $0x38;
	[tilespmem:$0x1B800] =	vst v63  }
0x61: {  	_ =	swait.ge [sflag:s29], $0x1000  }
0x62: {  	[sflag:s29] =	ssyncset.done $0x0  }
0x63: {  	[sflag:s29] =	ssyncadd.s32 $0xFFFFF000  }
0x64: {  	[spmem:s19] =	stream.linear.scatter [tilespmem:s28], [sflag:$0x1], $0x1000, $0x38;
	[tilespmem:$0x1B800] =	vst v63  }
0x65: {  	_ =	swait.ge [sflag:s29], $0x1000  }
0x66: {  	[sflag:s29] =	ssyncset.done $0x0  }
0x67: {  	[sflag:s29] =	ssyncadd.s32 $0xFFFFF000  }
0x68: {  	[spmem:s20] =	stream.linear.scatter [tilespmem:s28], [sflag:$0x1], $0x1000, $0x38;
	[tilespmem:$0x1B800] =	vst v63  }
0x69: {  	_ =	swait.ge [sflag:s29], $0x1000  }
0x6a: {  	[sflag:s29] =	ssyncset.done $0x0  }
0x6b: {  	[sflag:s29] =	ssyncadd.s32 $0xFFFFF000  }
0x6c: {  	[spmem:s21] =	stream.linear.scatter [tilespmem:s28], [sflag:$0x1], $0x1000, $0x38;
	[tilespmem:$0x1B800] =	vst v63  }
0x6d: {  	_ =	swait.ge [sflag:s29], $0x1000  }
0x6e: {  	[sflag:s29] =	ssyncset.done $0x0  }
0x6f: {  	[sflag:s29] =	ssyncadd.s32 $0xFFFFF000  }
0x70: {  	[spmem:s22] =	stream.linear.scatter [tilespmem:s28], [sflag:$0x1], $0x1000, $0x38;
	[tilespmem:$0x1B800] =	vst v63  }
0x71: {  	_ =	swait.ge [sflag:s29], $0x1000  }
0x72: {  	[sflag:s29] =	ssyncset.done $0x0  }
0x73: {  	[sflag:s29] =	ssyncadd.s32 $0xFFFFF000  }
0x74: {  	[spmem:s23] =	stream.linear.scatter [tilespmem:s28], [sflag:$0x1], $0x1000, $0x38;
	[tilespmem:$0x1B800] =	vst v63  }
0x75: {  	_ =	swait.ge [sflag:s29], $0x1000  }
0x76: {  	[sflag:s29] =	ssyncset.done $0x0  }
0x77: {  	[sflag:s29] =	ssyncadd.s32 $0xFFFFF000  }
0x78: {  	[spmem:s24] =	stream.linear.scatter [tilespmem:s28], [sflag:$0x1], $0x1000, $0x38;
	[tilespmem:$0x1B800] =	vst v63  }
0x79: {  	_ =	swait.ge [sflag:s29], $0x1000  }
0x7a: {  	[sflag:s29] =	ssyncset.done $0x0  }
0x7b: {  	[sflag:s29] =	ssyncadd.s32 $0xFFFFF000  }
0x7c: {  	[spmem:s25] =	stream.linear.scatter [tilespmem:s28], [sflag:$0x1], $0x1000, $0x38;
	[tilespmem:$0x1B800] =	vst v63  }
0x7d: {  	_ =	swait.ge [sflag:s29], $0x1000  }
0x7e: {  	[sflag:s29] =	ssyncset.done $0x0  }
0x7f: {  	[sflag:s29] =	ssyncadd.s32 $0xFFFFF000  }
0x80: {  	[spmem:s26] =	stream.linear.scatter [tilespmem:s28], [sflag:$0x1], $0x1000, $0x38;
	[tilespmem:$0x1B800] =	vst v63  }
0x81: {  	_ =	swait.ge [sflag:s29], $0x1000  }
0x82: {  	[sflag:s29] =	ssyncset.done $0x0  }
0x83: {  	[sflag:s29] =	ssyncadd.s32 $0xFFFFF000  }
0x84: {  	s1 =	simm.s32 $0x0;
	[bflag:$0x0] =	sbarrier.arrive $0xFFFF  }
0x85: {  	[tilespmem:s1], [sflag:$0x1] =	stream.linear.gather [hbm4b:s5+s1], $0x2800, $0x38;
	[tilespmem:$0x1B800] =	vst v63  }
0x86: {  	_ =	swait.ge [sflag:s29], $0x2800  }
0x87: {  	[sflag:s29] =	ssyncset.done $0x0  }
0x88: {  	s1 =	simm.s32 $0x0;
	[sflag:s29] =	ssyncadd.s32 $0xFFFFD800  }
0x89: {  	[spmem:s2] =	stream.indirect.scatter.add.f32 [tilespmem:s31], [sflag:$0x1], $0x80, s1, s30, $0xb8;
	[tilespmem:$0x1B800] =	vst v63  }
0x8a: {  	_ =	swait.ge [sflag:s29], $0x4000  }
0x8b: {  	s0 =	simm.s32 $0x200;
	[sflag:s29] =	ssyncset.done $0x0  }
.LBB2_6:
0x8c: {  	s1 =	sshra.s32 s0, $0x2;
	[sflag:s29] =	ssyncadd.s32 $0xFFFFC000;
	p0 =	sne.s32 s0, $0x9E00  }
0x8d: {  	[spmem:s2] =	stream.indirect.scatter.add.f32 [tilespmem:s31], [sflag:$0x1], $0x80, s1, s30, $0xb8;
	[tilespmem:$0x1B800] =	vst v63  }
.Ltmp2:
0x8e: {  	_ = 	snop;
	(pc) =	sbr.rel @p0 .LBB2_6-.Ltmp2, $4  }
0x8f: {  	_ = 	snop  }
0x90: {  	s0 =	sadd.s32 $0x200, s0  }
0x91: {  	_ =	swait.ge [sflag:s29], $0x4000  }
0x92: {  	[sflag:s29] =	ssyncset.done $0x0  }
0x93: {  	[sflag:s29] =	ssyncadd.s32 $0xFFFFC000;
	s0 =	stileid.u32;
	s3 =	sadd.s32 $0x1, s3  }
0x94: {  	s1 =	sshrl.u32 s4, $0x3;
	s0 =	sshll.u32 s0, $0x6;
	p0 =	sne.s32 s3, s7  }
.Ltmp3:
0x95: {  	[bflag:$0x0] =	sbarrier.arrive $0xFFFF;
	s0 =	sor.u32 $0x1C01, s0;
	(pc) =	sbr.rel @p0 .LBB2_1-.Ltmp3, $4  }
0x96: {  	[hbm:s6], [sflag:s0] =	dma.local [spmem:s1], $0x2800  }
0x97: {  	_ =	swait.ge [sflag:s29], $0x2800  }
0x98: {  	[sflag:s29] =	ssyncset.done $0x0  }
0x99: {  	[sflag:s29] =	ssyncadd.s32 $0xFFFFD800  }
0x9a: {  	_ =	sfence.sel $0x180000  }
0x9b: {  	[bflag:$0x0] =	sbarrier.arrive $0xFFFF  }
0x9c: {  	_ =	strace $0x90000047  }
0x9d: {  	s0 =	stileid.u32;
	[bflag:$0x2] =	sbarrier.arrive $0xFFFF  }
0x9e: {  	p0 =	sne.s32 s0, $0x0;
	s0 =	rddreg [dreg:$0x3]  }
0x9f: {  	s0 =	sadd.s32 @!p0 $0x100000, s0  }
0xa0: {  	[sflag:s0] =	ssyncadd.tile.s32 @!p0 $0x1;
	_ =	shalt  }
.Lfunc_end2:
_tile_overlayer_lowered:
.L_overlay_start_2:
0xa1: {  	(tag) =	ssettag $0x2  }
0xa2: {  	s0 =	rddreg [dreg:$0x0];
	s2 =	stileid.u32  }
0xa3: {  	s1 =	rddreg [dreg:$0x1];
	p0 =	sne.s32 s2, $0x0  }
0xa4: {  	s3 =	rddreg [dreg:$0x2];
	[bflag:$0x3] =	sbarrier.arrive $0xFFFF;
	s2 =	simm.s32 @!p0 $0x1C01  }
0xa5: {  	[timem:s3], [sflag:s2] =	dma.local @!p0 [hbm:s0], s1  }
0xa6: {  	s0 =	simm.s32 @!p0 $0x1  }
0xa7: {  	_ =	swait.ge @!p0 [sflag:s0], s1  }
0xa8: {  	s1 =	ssub.s32 @!p0 $0x0, s1;
	[sflag:s0] =	ssyncset.done @!p0 $0x0  }
0xa9: {  	[sflag:s0] =	ssyncadd.s32 @!p0 s1  }
0xaa: {  	[bflag:$0x3] =	sbarrier.arrive $0xFFFF  }
0xab: {  	_ =	shalt  }

// kernel: kernel.9.cloned.1.call-start
scs
__scs_entry_jumppad:
0x0: {  	(pc) =	sbr.rel $0x88, $3  }
0x1: {  	(tag) =	ssettag $0x0;
	lr =	simm.s32 $0x1  }
0x2: {  	[smem:$0x3F9D] =	sst lr;
	_ =	strace $0xD0000000  }
0x3: {  	_ = 	snop  }
0x4: {  	_ = 	snop  }
0x5: {  	_ = 	snop  }
0x6: {  	_ = 	snop  }
0x7: {  	_ = 	snop  }
__scs_overlays_trampoline_lowered:
0x8: {  	[smem:$0x3FAC] =	sst s0  }
0x9: {  	[smem:$0x3FAD] =	sst s1  }
0xa: {  	[smem:$0x3FAE] =	sst s2  }
0xb: {  	[smem:$0x3FAF] =	sst s3  }
0xc: {  	[smem:$0x3FB0] =	sst s4  }
0xd: {  	[smem:$0x3FB1] =	sst s5  }
0xe: {  	[smem:$0x3FB2] =	sst s6  }
0xf: {  	[smem:$0x3FB3] =	sst s7  }
0x10: {  	[smem:$0x3FB4] =	sst s8  }
0x11: {  	[smem:$0x3FB5] =	sst s9;
	s0 =	simm.s32 @!p0 $0x0  }
0x12: {  	s1 =	sld [smem:$0x3F9B];
	s0 =	simm.s32 @p0 $0x1  }
0x13: {  	[smem:$0x3FB6] =	sst s0;
	s0 =	simm.s32 @!p1 $0x0  }
0x14: {  	s2 =	sld [smem:$0x3F9A];
	s0 =	simm.s32 @p1 $0x1  }
0x15: {  	[smem:$0x3FB7] =	sst s0;
	s0 =	simm.s32 @!p2 $0x0  }
0x16: {  	s3 =	sld [smem:$0x3FDB];
	s0 =	simm.s32 @p2 $0x1  }
0x17: {  	s4 =	simm.s32 $0x1BF5;
	[smem:$0x3FB9] =	sst s0  }
0x18: {  	s0 =	sld [smem:$0x3F9C];
	_ =	swait.ge [sflag:s4], $0x0  }
0x19: {  	s7 =	sld [smem:$0x3F9D]  }
0x1a: {  	s8 =	sadd.s32 $0xFFFFE003, lr  }
0x1b: {  	s9 =	sadd.s32 $0xFFFFFEF7, lr;
	s5 =	simm.s32 $0xFFFFFFFF;
	p2 =	slt.u32 s8, $0xFFFFF086  }
0x1c: {  	p1 =	slt.u32 s9, $0xF7A;
	s5 =	simm.s32 @!p2 $0x0  }
0x1d: {  	s5 =	simm.s32 @p1 $0x1;
	p0 =	seq.s32 s7, s2  }
0x1e: {  	s7 =	smul.u32 @!p0 $0xF7A, s2;
	p2 =	seq.s32 @!p0 s5, $0x0  }
0x1f: {  	s9 =	smul.u32 $0xF7A, s1;
	s8 =	simm.s32 @!p0 $0x1BF5;
	p2 =	por !p2, p0  }
0x20: {  	[sflag:s8] =	ssyncset.s32 @!p0 $0xFFFFF086;
	s6 =	sadd.s32 @!p0 s3, s7;
	s7 =	simm.s32 @!p0 $0x108  }
0x21: {  	s3 =	sadd.s32 s3, s9;
	s6 =	sadd.s32 @!p0 $0x88, s6;
	s7 =	simm.s32 @p2 $0x1082  }
0x22: {  	[simem:s7], [sflag:s8] =	dma.local @!p0 [hbm:s6], $0xF7A  }
0x23: {  	s9 =	sor.u32 $0xD0000000, s2;
	s6 =	simm.s32 $0x108;
	_ =	swait.ge @!p0 [sflag:s8], $0x0  }
0x24: {  	s3 =	sadd.s32 $0x88, s3;
	s6 =	simm.s32 @!p1 $0x1082;
	[sflag:s4] =	ssyncset.s32 $0xFFFFF086  }
0x25: {  	[simem:s6], [sflag:s4] =	dma.local [hbm:s3], $0xF7A  }
0x26: {  	[smem:$0x3F9D] =	sst s1;
	(tag) =	ssettag s2;
	_ =	strace s9  }
0x27: {  	s1 =	sld [smem:$0x3FAD]  }
0x28: {  	s2 =	sld [smem:$0x3FAE]  }
0x29: {  	s4 =	sld [smem:$0x3FB0]  }
0x2a: {  	p0 =	seq.s32 s5, $0x0;
	s5 =	sld [smem:$0x3FB1]  }
0x2b: {  	s6 =	sld [smem:$0x3FB2]  }
0x2c: {  	s7 =	sld [smem:$0x3FB3]  }
0x2d: {  	s3 =	simm.s32 $0x108;
	s8 =	sld [smem:$0x3FB4]  }
0x2e: {  	s3 =	simm.s32 @!p0 $0x1082;
	s9 =	sld [smem:$0x3FB5]  }
0x2f: {  	lr =	sadd.s32 s0, s3;
	s0 =	sld [smem:$0x3FAC]  }
0x30: {  	s3 =	sld [smem:$0x3FAF]  }
0x31: {  	[smem:$0x3FB8] =	sst s10  }
0x32: {  	s10 =	sld [smem:$0x3FB6];
	_ =	sdelay $0x3  }
0x33: {  	p0 =	seq.s32 s10, $0x1;
	s10 =	sld [smem:$0x3FB8];
	_ =	sdelay $0x3  }
0x34: {  	[smem:$0x3FB8] =	sst s10  }
0x35: {  	s10 =	sld [smem:$0x3FB7];
	_ =	sdelay $0x3  }
0x36: {  	p1 =	seq.s32 s10, $0x1;
	s10 =	sld [smem:$0x3FB8];
	_ =	sdelay $0x3  }
0x37: {  	[smem:$0x3FB8] =	sst s10  }
0x38: {  	s10 =	sld [smem:$0x3FB9]  }
0x39: {  	_ = 	snop;
	(pc) =	sbr.ind lr, $3  }
0x3a: {  	_ = 	snop  }
0x3b: {  	_ = 	snop  }
0x3c: {  	p2 =	seq.s32 s10, $0x1;
	s10 =	sld [smem:$0x3FB8]  }
0x3d: {  	_ =	shalt  }
0x3e: {  	_ =	shalt  }
0x3f: {  	_ =	shalt  }
0x40: {  	_ =	shalt  }
0x41: {  	_ =	shalt  }
0x42: {  	_ =	shalt  }
0x43: {  	_ =	shalt  }
0x44: {  	_ =	shalt  }
0x45: {  	_ =	shalt  }
0x46: {  	_ =	shalt  }
0x47: {  	_ =	shalt  }
0x48: {  	_ =	shalt  }
0x49: {  	_ =	shalt  }
0x4a: {  	_ =	shalt  }
0x4b: {  	_ =	shalt  }
0x4c: {  	_ =	shalt  }
0x4d: {  	_ =	shalt  }
0x4e: {  	_ =	shalt  }
0x4f: {  	_ =	shalt  }
0x50: {  	_ =	shalt  }
0x51: {  	_ =	shalt  }
0x52: {  	_ =	shalt  }
0x53: {  	_ =	shalt  }
0x54: {  	_ =	shalt  }
0x55: {  	_ =	shalt  }
0x56: {  	_ =	shalt  }
0x57: {  	_ =	shalt  }
0x58: {  	_ =	shalt  }
0x59: {  	_ =	shalt  }
0x5a: {  	_ =	shalt  }
0x5b: {  	_ =	shalt  }
0x5c: {  	_ =	shalt  }
0x5d: {  	_ =	shalt  }
0x5e: {  	_ =	shalt  }
0x5f: {  	_ =	shalt  }
0x60: {  	_ =	shalt  }
0x61: {  	_ =	shalt  }
0x62: {  	_ =	shalt  }
0x63: {  	_ =	shalt  }
0x64: {  	_ =	shalt  }
0x65: {  	_ =	shalt  }
0x66: {  	_ =	shalt  }
0x67: {  	_ =	shalt  }
0x68: {  	_ =	shalt  }
0x69: {  	_ =	shalt  }
0x6a: {  	_ =	shalt  }
0x6b: {  	_ =	shalt  }
0x6c: {  	_ =	shalt  }
0x6d: {  	_ =	shalt  }
0x6e: {  	_ =	shalt  }
0x6f: {  	_ =	shalt  }
0x70: {  	_ =	shalt  }
0x71: {  	_ =	shalt  }
0x72: {  	_ =	shalt  }
0x73: {  	_ =	shalt  }
0x74: {  	_ =	shalt  }
0x75: {  	_ =	shalt  }
0x76: {  	_ =	shalt  }
0x77: {  	_ =	shalt  }
0x78: {  	_ =	shalt  }
0x79: {  	_ =	shalt  }
0x7a: {  	_ =	shalt  }
0x7b: {  	_ =	shalt  }
0x7c: {  	_ =	shalt  }
0x7d: {  	_ =	shalt  }
0x7e: {  	_ =	shalt  }
0x7f: {  	_ =	shalt  }
0x80: {  	_ =	shalt  }
0x81: {  	_ =	shalt  }
0x82: {  	_ =	shalt  }
0x83: {  	_ =	shalt  }
0x84: {  	_ =	shalt  }
0x85: {  	_ =	shalt  }
0x86: {  	_ =	shalt  }
0x87: {  	_ =	shalt  }
.Lfunc_end0:
.L_simem_size_0:
called_computation.1_lowered:
.L_overlay_start_0:
0x88: {  	s2 =	sld [smem:$0x3FD9]  }
0x89: {  	s3 =	sld [smem:$0x3FFE];
	_ =	sdelay $0x1  }
0x8a: {  	s1 =	srdreg.scid  }
0x8b: {  	s0 =	sand.u32 $0x1, s1  }
0x8c: {  	s17 =	sshll.u32 s0, $0xA;
	s2 =	sadd.s32 s3, s2  }
0x8d: {  	s2 =	sadd.s32 s2, s17  }
0x8e: {  	[smem:$0x3FC4] =	sst s2  }
0x8f: {  	_ = 	snop  }
0x90: {  	s2 =	sld [smem:$0x3FD0];
	(tm) =	ssettm $0x1  }
0x91: {  	s18 =	sld [smem:$0x3FFB];
	_ =	sdelay $0x3  }
0x92: {  	_ =	strace s18  }
0x93: {  	s3 =	sld [smem:$0x3FFC];
	_ =	sdelay $0x3  }
0x94: {  	_ =	strace s3  }
0x95: {  	s3 =	sld [smem:$0x3FFD];
	_ =	sdelay $0x3  }
0x96: {  	_ =	strace s3  }
0x97: {  	_ =	strace $0x8FFFFFFF  }
0x98: {  	s19 =	sld [smem:$0x3FDB];
	_ =	sdelay $0x1  }
0x99: {  	s4 =	simm.s32 $_scs_section_size  }
0x9a: {  	s5 =	simm.s32 $_size__tile_overlayer_lowered;
	s6 =	simm.s32 $_tile_overlayer_lowered  }
0x9b: {  	s22 =	simm.s32 $0x1BFF;
	s21 =	sshll.u32 s6, $0x1;
	s3 =	sadd.s32 s4, s19  }
0x9c: {  	s7 =	simm.s32 $0x0;
	s20 =	sshll.u32 s5, $0x1;
	s5 =	sadd.s32 s21, s3  }
0x9d: {  	[timem:s7], [sflag:s22] =	dma.local [hbm:s5], s20  }
0x9e: {  	_ =	swait.ge [sflag:s22], s20  }
0x9f: {  	s4 =	ssub.s32 $0x0, s20;
	[sflag:s22] =	ssyncset.done $0x0  }
0xa0: {  	[sflag:s22] =	ssyncadd.s32 s4;
	_ =	sdelay $0x1  }
0xa1: {  	s23 =	simm.s32 $0x1B8B  }
0xa2: {  	_ =	swait.ge [sflag:s23], $0x1  }
0xa3: {  	[sflag:s23] =	ssyncset.done $0x0  }
0xa4: {  	s25 =	simm.s32 $0x1B8E;
	s24 =	sld [smem:$0x3FFE];
	[sflag:s23] =	ssyncadd.s32 $0xFFFFFFFF  }
0xa5: {  	s26 =	simm.s32 $execute0_lowered;
	[smem:$0x3FD2] =	sst s25  }
0xa6: {  	s5 =	sshll.u32 s26, $0x1;
	_ =	strace $0x80000049;
	[dreg:$0x1] =	wrdreg $0xFFFFFFFF  }
0xa7: {  	s28 =	simm.s32 $_size_execute0_lowered;
	s3 =	sadd.s32 s3, s5;
	[dreg:$0x0] =	wrdreg $0x0  }
0xa8: {  	s5 =	sshll.u32 s28, $0x1;
	[dreg:$0x2] =	wrdreg s3  }
0xa9: {  	[dreg:$0x3] =	wrdreg s5  }
0xaa: {  	[dreg:$0x4] =	wrdreg $0xC0  }
0xab: {  	_ =	task [dreg:s7], $0x5FFFF  }
0xac: {  	[dreg:$0x1] =	wrdreg $0xFFFFFFFF  }
0xad: {  	[dreg:$0x0] =	wrdreg $0x60  }
0xae: {  	[dreg:$0x2] =	wrdreg s2  }
0xaf: {  	[dreg:$0x3] =	wrdreg s24  }
0xb0: {  	[dreg:$0x4] =	wrdreg $0x90000  }
0xb1: {  	[dreg:$0x5] =	wrdreg $0x9  }
0xb2: {  	_ =	task.clear_ibuf [dreg:s7], $0x6FFFF;
	_ =	strace $0x90000049  }
0xb3: {  	s29 =	simm.s32 $0x9;
	_ =	strace $0x8000004B  }
0xb4: {  	_ =	swait.ge [sflag:s29], $0x1  }
0xb5: {  	[sflag:s29] =	ssyncadd.s32 $0xFFFFFFFF  }
0xb6: {  	_ =	strace $0x9000004B  }
0xb7: {  	_ =	sfence  }
0xb8: {  	s30 =	sld [smem:$0x0];
	_ =	sdelay $0x2  }
0xb9: {  	s31 =	sshll.u32 s1, $0xD;
	s1 =	sshrl.u32 s1, $0x2  }
0xba: {  	s3 =	sand.u32 $0x4000, s31;
	s1 =	sadd.s32 s1, s30  }
0xbb: {  	s0 =	sor.u32 s3, s0;
	s1 =	sshll.u32 s1, $0x11  }
0xbc: {  	s0 =	sor.u32 s1, s0  }
0xbd: {  	s0 =	sadd.s32 $0x8F2B, s0  }
0xbe: {  	[sflag:s0] =	ssyncadd.remote.s32 $0x1  }
0xbf: {  	_ =	sfence.sel $0xFFFF  }
0xc0: {  	[dreg:$0x0] =	wrdreg $0xFFFFFFFF;
	(pc) =	sbr.abs _section_cstart, $3  }
0xc1: {  	[dreg:$0x1] =	wrdreg $0xFFFFFFFF  }
0xc2: {  	_ =	task.clear_ibuf [dreg:s7], $0x2FFFF;
	_ =	strace $0x9FFFFFFF  }
0xc3: {  	(tm) =	ssettm $0x7FFFFFFF  }
tec
execute0_lowered:
.L_overlay_start_1:
0x0: {  	(tag) =	ssettag $0x1  }
0x1: {  	s2 =	rddreg [dreg:$0x0]  }
0x2: {  	s0 =	rddreg [dreg:$0x1]  }
0x3: {  	s3 =	rddreg [dreg:$0x2];
	s10 =	stileid.u32  }
0x4: {  	s4 =	simm.s32 $0x0;
	s5 =	srdreg.scid;
	s28 =	simm.s32 $0x1  }
0x5: {  	s29 =	simm.s32 $0x2;
	s31 =	simm.s32 $0x3;
	s1 =	smul.u32 $0x900, s10  }
0x6: {  	s30 =	simm.s32 $0xD00;
	[smem:$0x7FF] =	sst s4;
	s6 =	smul.u32 $0x50000, s10  }
0x7: {  	s5 =	sand.u32 $0x1, s5;
	s8 =	sshll.u32 s10, $0x8;
	s10 =	smul.u32 $0x14000, s10  }
0x8: {  	_ =	strace $0x8000004A;
	s7 =	smul.u32 $0x140000, s5;
	s9 =	ssub.s32 $0x2, s5  }
0x9: {  	s8 =	sadd.s32 s8, s0;
	p0 =	seq.s32 s5, $0x1;
	s1 =	sadd.s32 s1, s0  }
0xa: {  	s0 =	sadd.s32 $0x65E00, s0;
	s11 =	sshrl.u32 s9, $0x1;
	s6 =	sshrl.u32 s6, $0x2  }
0xb: {  	s18 =	sadd.s32 $0x51E00, s8;
	s19 =	sadd.s32 $0x52E00, s8;
	s22 =	sadd.s32 $0x4000, s10  }
0xc: {  	s13 =	sadd.s32 $0xC000, s10;
	s9 =	ssub.s32 s9, s11;
	[dreg:$0x7] =	wrdreg s18  }
0xd: {  	s16 =	sadd.s32 s7, s10;
	s12 =	sadd.s32 s6, s3;
	[dreg:$0x8] =	wrdreg s19  }
0xe: {  	s25 =	sadd.s32 s7, s22;
	s14 =	sadd.s32 s7, s13;
	s18 =	simm.s32 $0x1000  }
0xf: {  	s19 =	simm.s32 $0x5;
	s11 =	simm.s32 $0x780;
	s17 =	sshrl.u32 s16, $0x3  }
0x10: {  	s20 =	smax.u32 s9, $0x1;
	s21 =	sadd.s32 $0x4000, s12;
	[dreg:$0x6] =	wrdreg s12  }
0x11: {  	s23 =	sadd.s32 $0x8000, s12;
	s24 =	sadd.s32 $0xC000, s12;
	[dreg:$0xa] =	wrdreg s20  }
0x12: {  	s26 =	sadd.s32 $0x10000, s12;
	s6 =	sshrl.u32 s25, $0x3;
	[dreg:$0xb] =	wrdreg s21  }
0x13: {  	s9 =	sadd.s32 $0x8000, s10;
	s15 =	sshrl.u32 s14, $0x3;
	[dreg:$0xc] =	wrdreg s23  }
0x14: {  	s10 =	sadd.s32 $0x10000, s10;
	s14 =	simm.s32 $0x0;
	[dreg:$0xd] =	wrdreg s24  }
0x15: {  	s5 =	sadd.s32 s0, s17;
	[dreg:$0xe] =	wrdreg s26;
	s6 =	sadd.s32 s0, s6  }
0x16: {  	s12 =	sadd.s32 s7, s9;
	s8 =	sadd.s32 s9, s3;
	s16 =	sadd.s32 s7, s10  }
0x17: {  	s17 =	sadd.s32 s13, s3;
	s20 =	sadd.s32 $0x53E00, s1;
	s21 =	sadd.s32 $0x5CE00, s1  }
0x18: {  	s7 =	simm.s32 $0x600;
	s1 =	simm.s32 $0x680;
	[dreg:$0x9] =	wrdreg s5  }
0x19: {  	s9 =	simm.s32 $0xE80;
	s13 =	simm.s32 $0xF80;
	[dreg:$0xf] =	wrdreg s6  }
0x1a: {  	s5 =	sadd.s32 s22, s3;
	s6 =	sshrl.u32 s12, $0x3;
	[dreg:$0x4] =	wrdreg s20  }
0x1b: {  	s22 =	sadd.s32 s10, s3;
	[dreg:$0x5] =	wrdreg s21;
	s20 =	simm.s32 $0x800  }
0x1c: {  	s21 =	simm.s32 $0x80;
	s24 =	sshrl.u32 s8, $0x3;
	s25 =	sshrl.u32 s17, $0x3  }
0x1d: {  	s17 =	simm.s32 $0x400;
	s8 =	simm.s32 $0xE00;
	s10 =	simm.s32 $0x700  }
0x1e: {  	s12 =	simm.s32 $0xF00;
	s6 =	sadd.s32 s0, s6;
	[dreg:$0x14] =	wrdreg s24  }
0x1f: {  	s23 =	sshrl.u32 s5, $0x3;
	[dreg:$0x15] =	wrdreg s25;
	s26 =	sshrl.u32 s22, $0x3  }
0x20: {  	s22 =	simm.s32 $0x480;
	s24 =	simm.s32 $0xC80;
	[dreg:$0x10] =	wrdreg s6  }
.Ltmp0:
0x21: {  	s25 =	simm.s32 $0x500;
	[dreg:$0x13] =	wrdreg s23;
	(pc) =	sbr.rel .LBB2_1-.Ltmp0, $4  }
0x22: {  	s5 =	simm.s32 $0x580;
	s6 =	sadd.s32 s0, s15;
	[dreg:$0x16] =	wrdreg s26  }
0x23: {  	s26 =	simm.s32 $0x5000;
	[dreg:$0x11] =	wrdreg s6;
	s6 =	sshrl.u32 s16, $0x3  }
0x24: {  	s23 =	simm.s32 $0xC00;
	s16 =	simm.s32 $0x880;
	s0 =	sadd.s32 s0, s6  }
0x25: {  	v0 =	vimm.f32 $0.0e+00;
	s6 =	simm.s32 $0x4;
	[dreg:$0x12] =	wrdreg s0;
	s0 =	simm.s32 $0xD80  }
.LBB2_7:
0x26: {  	s14 =	rddreg [dreg:$0x7]  }
0x27: {  	[tilespmem:s4], [sflag:$0x5] =	stream.linear.gather [hbm4b:s14+s4], $0x800, $0x38;
	[tilespmem:$0x1D000] =	vst v63  }
0x28: {  	_ =	swait.ge [sflag:s19], $0x800  }
0x29: {  	[sflag:s19] =	ssyncset.done $0x0  }
0x2a: {  	s15 =	rddreg [dreg:$0x8];
	[sflag:s19] =	ssyncadd.s32 $0xFFFFF800  }
0x2b: {  	[tilespmem:s20], [sflag:$0x5] =	stream.linear.gather [hbm4b:s15+s4], $0x800, $0x38;
	[tilespmem:$0x1D000] =	vst v63  }
0x2c: {  	_ =	swait.ge [sflag:s19], $0x800  }
0x2d: {  	[sflag:s19] =	ssyncset.done $0x0  }
0x2e: {  	[sflag:s19] =	ssyncadd.s32 $0xFFFFF800  }
0x2f: {  	[tilespmem:s18], [sflag:$0x1] =	stream.indirect.gather [hbm4b:s2+s21], $0x80, s4, s21, $0xb8;
	[tilespmem:$0x1D000] =	vst v63  }
0x30: {  	_ = 	snop  }
0x31: {  	[tilespmem:s26], [sflag:$0x2] =	stream.indirect.gather [hbm4b:s2+s21], $0x80, s21, s21, $0xb8;
	[tilespmem:$0x1D000] =	vst v63  }
0x32: {  	_ =	swait.ge [sflag:s28], $0x4000  }
0x33: {  	[sflag:s28] =	ssyncset.done $0x0  }
0x34: {  	[sflag:s28] =	ssyncadd.s32 $0xFFFFC000  }
0x35: {  	[spmem:s3] =	stream.indirect.scatter.add.f32 [tilespmem:s18], [sflag:$0x3], $0x80, s20, s21, $0xb8;
	[tilespmem:$0x1D000] =	vst v63  }
0x36: {  	_ =	swait.ge [sflag:s29], $0x4000  }
0x37: {  	[sflag:s29] =	ssyncset.done $0x0  }
0x38: {  	[sflag:s29] =	ssyncadd.s32 $0xFFFFC000  }
0x39: {  	[spmem:s3] =	stream.indirect.scatter.add.f32 [tilespmem:s26], [sflag:$0x4], $0x80, s16, s21, $0xb8;
	[tilespmem:$0x1D000] =	vst v63  }
0x3a: {  	_ =	swait.ge [sflag:s31], $0x4000  }
0x3b: {  	[sflag:s31] =	ssyncset.done $0x0  }
0x3c: {  	s15 =	simm.s32 $0x100;
	[sflag:s31] =	ssyncadd.s32 $0xFFFFC000  }
0x3d: {  	[tilespmem:s18], [sflag:$0x1] =	stream.indirect.gather [hbm4b:s2+s21], $0x80, s15, s21, $0xb8;
	[tilespmem:$0x1D000] =	vst v63  }
0x3e: {  	_ =	swait.ge [sflag:s6], $0x4000  }
0x3f: {  	[sflag:s6] =	ssyncset.done $0x0  }
0x40: {  	s16 =	simm.s32 $0x180;
	[sflag:s6] =	ssyncadd.s32 $0xFFFFC000  }
0x41: {  	[tilespmem:s26], [sflag:$0x2] =	stream.indirect.gather [hbm4b:s2+s21], $0x80, s16, s21, $0xb8;
	[tilespmem:$0x1D000] =	vst v63  }
0x42: {  	_ =	swait.ge [sflag:s28], $0x4000  }
0x43: {  	[sflag:s28] =	ssyncset.done $0x0  }
0x44: {  	s15 =	simm.s32 $0x900;
	[sflag:s28] =	ssyncadd.s32 $0xFFFFC000  }
0x45: {  	[spmem:s3] =	stream.indirect.scatter.add.f32 [tilespmem:s18], [sflag:$0x3], $0x80, s15, s21, $0xb8;
	[tilespmem:$0x1D000] =	vst v63  }
0x46: {  	_ =	swait.ge [sflag:s29], $0x4000  }
0x47: {  	[sflag:s29] =	ssyncset.done $0x0  }
0x48: {  	s16 =	simm.s32 $0x980;
	[sflag:s29] =	ssyncadd.s32 $0xFFFFC000  }
0x49: {  	[spmem:s3] =	stream.indirect.scatter.add.f32 [tilespmem:s26], [sflag:$0x4], $0x80, s16, s21, $0xb8;
	[tilespmem:$0x1D000] =	vst v63  }
0x4a: {  	_ =	swait.ge [sflag:s31], $0x4000  }
0x4b: {  	[sflag:s31] =	ssyncset.done $0x0  }
0x4c: {  	s15 =	simm.s32 $0x200;
	[sflag:s31] =	ssyncadd.s32 $0xFFFFC000  }
0x4d: {  	[tilespmem:s18], [sflag:$0x1] =	stream.indirect.gather [hbm4b:s2+s21], $0x80, s15, s21, $0xb8;
	[tilespmem:$0x1D000] =	vst v63  }
0x4e: {  	_ =	swait.ge [sflag:s6], $0x4000  }
0x4f: {  	[sflag:s6] =	ssyncset.done $0x0  }
0x50: {  	s16 =	simm.s32 $0x280;
	[sflag:s6] =	ssyncadd.s32 $0xFFFFC000  }
0x51: {  	[tilespmem:s26], [sflag:$0x2] =	stream.indirect.gather [hbm4b:s2+s21], $0x80, s16, s21, $0xb8;
	[tilespmem:$0x1D000] =	vst v63  }
0x52: {  	_ =	swait.ge [sflag:s28], $0x4000  }
0x53: {  	[sflag:s28] =	ssyncset.done $0x0  }
0x54: {  	s15 =	simm.s32 $0xA00;
	[sflag:s28] =	ssyncadd.s32 $0xFFFFC000  }
0x55: {  	[spmem:s3] =	stream.indirect.scatter.add.f32 [tilespmem:s18], [sflag:$0x3], $0x80, s15, s21, $0xb8;
	[tilespmem:$0x1D000] =	vst v63  }
0x56: {  	_ =	swait.ge [sflag:s29], $0x4000  }
0x57: {  	[sflag:s29] =	ssyncset.done $0x0  }
0x58: {  	s16 =	simm.s32 $0xA80;
	[sflag:s29] =	ssyncadd.s32 $0xFFFFC000  }
0x59: {  	[spmem:s3] =	stream.indirect.scatter.add.f32 [tilespmem:s26], [sflag:$0x4], $0x80, s16, s21, $0xb8;
	[tilespmem:$0x1D000] =	vst v63  }
0x5a: {  	_ =	swait.ge [sflag:s31], $0x4000  }
0x5b: {  	[sflag:s31] =	ssyncset.done $0x0  }
0x5c: {  	s15 =	simm.s32 $0x300;
	[sflag:s31] =	ssyncadd.s32 $0xFFFFC000  }
0x5d: {  	[tilespmem:s18], [sflag:$0x1] =	stream.indirect.gather [hbm4b:s2+s21], $0x80, s15, s21, $0xb8;
	[tilespmem:$0x1D000] =	vst v63  }
0x5e: {  	_ =	swait.ge [sflag:s6], $0x4000  }
0x5f: {  	[sflag:s6] =	ssyncset.done $0x0  }
0x60: {  	s16 =	simm.s32 $0x380;
	[sflag:s6] =	ssyncadd.s32 $0xFFFFC000  }
0x61: {  	[tilespmem:s26], [sflag:$0x2] =	stream.indirect.gather [hbm4b:s2+s21], $0x80, s16, s21, $0xb8;
	[tilespmem:$0x1D000] =	vst v63  }
0x62: {  	_ =	swait.ge [sflag:s28], $0x4000  }
0x63: {  	[sflag:s28] =	ssyncset.done $0x0  }
0x64: {  	s15 =	simm.s32 $0xB00;
	[sflag:s28] =	ssyncadd.s32 $0xFFFFC000  }
0x65: {  	[spmem:s3] =	stream.indirect.scatter.add.f32 [tilespmem:s18], [sflag:$0x3], $0x80, s15, s21, $0xb8;
	[tilespmem:$0x1D000] =	vst v63  }
0x66: {  	_ =	swait.ge [sflag:s29], $0x4000  }
0x67: {  	[sflag:s29] =	ssyncset.done $0x0  }
0x68: {  	s16 =	simm.s32 $0xB80;
	[sflag:s29] =	ssyncadd.s32 $0xFFFFC000  }
0x69: {  	[spmem:s3] =	stream.indirect.scatter.add.f32 [tilespmem:s26], [sflag:$0x4], $0x80, s16, s21, $0xb8;
	[tilespmem:$0x1D000] =	vst v63  }
0x6a: {  	_ =	swait.ge [sflag:s31], $0x4000  }
0x6b: {  	[sflag:s31] =	ssyncset.done $0x0  }
0x6c: {  	[sflag:s31] =	ssyncadd.s32 $0xFFFFC000  }
0x6d: {  	[tilespmem:s18], [sflag:$0x1] =	stream.indirect.gather [hbm4b:s2+s21], $0x80, s17, s21, $0xb8;
	[tilespmem:$0x1D000] =	vst v63  }
0x6e: {  	_ =	swait.ge [sflag:s6], $0x4000  }
0x6f: {  	[sflag:s6] =	ssyncset.done $0x0  }
0x70: {  	[sflag:s6] =	ssyncadd.s32 $0xFFFFC000  }
0x71: {  	[tilespmem:s26], [sflag:$0x2] =	stream.indirect.gather [hbm4b:s2+s21], $0x80, s22, s21, $0xb8;
	[tilespmem:$0x1D000] =	vst v63  }
0x72: {  	_ =	swait.ge [sflag:s28], $0x4000  }
0x73: {  	[sflag:s28] =	ssyncset.done $0x0  }
0x74: {  	[sflag:s28] =	ssyncadd.s32 $0xFFFFC000  }
0x75: {  	[spmem:s3] =	stream.indirect.scatter.add.f32 [tilespmem:s18], [sflag:$0x3], $0x80, s23, s21, $0xb8;
	[tilespmem:$0x1D000] =	vst v63  }
0x76: {  	_ =	swait.ge [sflag:s29], $0x4000  }
0x77: {  	[sflag:s29] =	ssyncset.done $0x0  }
0x78: {  	[sflag:s29] =	ssyncadd.s32 $0xFFFFC000  }
0x79: {  	[spmem:s3] =	stream.indirect.scatter.add.f32 [tilespmem:s26], [sflag:$0x4], $0x80, s24, s21, $0xb8;
	[tilespmem:$0x1D000] =	vst v63  }
0x7a: {  	_ =	swait.ge [sflag:s31], $0x4000  }
0x7b: {  	[sflag:s31] =	ssyncset.done $0x0  }
0x7c: {  	[sflag:s31] =	ssyncadd.s32 $0xFFFFC000  }
0x7d: {  	[tilespmem:s18], [sflag:$0x1] =	stream.indirect.gather [hbm4b:s2+s21], $0x80, s25, s21, $0xb8;
	[tilespmem:$0x1D000] =	vst v63  }
0x7e: {  	_ =	swait.ge [sflag:s6], $0x4000  }
0x7f: {  	[sflag:s6] =	ssyncset.done $0x0  }
0x80: {  	[sflag:s6] =	ssyncadd.s32 $0xFFFFC000  }
0x81: {  	[tilespmem:s26], [sflag:$0x2] =	stream.indirect.gather [hbm4b:s2+s21], $0x80, s5, s21, $0xb8;
	[tilespmem:$0x1D000] =	vst v63  }
0x82: {  	_ =	swait.ge [sflag:s28], $0x4000  }
0x83: {  	[sflag:s28] =	ssyncset.done $0x0  }
0x84: {  	[sflag:s28] =	ssyncadd.s32 $0xFFFFC000  }
0x85: {  	[spmem:s3] =	stream.indirect.scatter.add.f32 [tilespmem:s18], [sflag:$0x3], $0x80, s30, s21, $0xb8;
	[tilespmem:$0x1D000] =	vst v63  }
0x86: {  	_ =	swait.ge [sflag:s29], $0x4000  }
0x87: {  	[sflag:s29] =	ssyncset.done $0x0  }
0x88: {  	[sflag:s29] =	ssyncadd.s32 $0xFFFFC000  }
0x89: {  	[spmem:s3] =	stream.indirect.scatter.add.f32 [tilespmem:s26], [sflag:$0x4], $0x80, s0, s21, $0xb8;
	[tilespmem:$0x1D000] =	vst v63  }
0x8a: {  	_ =	swait.ge [sflag:s31], $0x4000  }
0x8b: {  	[sflag:s31] =	ssyncset.done $0x0  }
0x8c: {  	[sflag:s31] =	ssyncadd.s32 $0xFFFFC000  }
0x8d: {  	[tilespmem:s18], [sflag:$0x1] =	stream.indirect.gather [hbm4b:s2+s21], $0x80, s7, s21, $0xb8;
	[tilespmem:$0x1D000] =	vst v63  }
0x8e: {  	_ =	swait.ge [sflag:s6], $0x4000  }
0x8f: {  	[sflag:s6] =	ssyncset.done $0x0  }
0x90: {  	[sflag:s6] =	ssyncadd.s32 $0xFFFFC000  }
0x91: {  	[tilespmem:s26], [sflag:$0x2] =	stream.indirect.gather [hbm4b:s2+s21], $0x80, s1, s21, $0xb8;
	[tilespmem:$0x1D000] =	vst v63  }
0x92: {  	_ =	swait.ge [sflag:s28], $0x4000  }
0x93: {  	[sflag:s28] =	ssyncset.done $0x0  }
0x94: {  	[sflag:s28] =	ssyncadd.s32 $0xFFFFC000  }
0x95: {  	[spmem:s3] =	stream.indirect.scatter.add.f32 [tilespmem:s18], [sflag:$0x3], $0x80, s8, s21, $0xb8;
	[tilespmem:$0x1D000] =	vst v63  }
0x96: {  	_ =	swait.ge [sflag:s29], $0x4000  }
0x97: {  	[sflag:s29] =	ssyncset.done $0x0  }
0x98: {  	[sflag:s29] =	ssyncadd.s32 $0xFFFFC000  }
0x99: {  	[spmem:s3] =	stream.indirect.scatter.add.f32 [tilespmem:s26], [sflag:$0x4], $0x80, s9, s21, $0xb8;
	[tilespmem:$0x1D000] =	vst v63  }
0x9a: {  	_ =	swait.ge [sflag:s31], $0x4000  }
0x9b: {  	[sflag:s31] =	ssyncset.done $0x0  }
0x9c: {  	[sflag:s31] =	ssyncadd.s32 $0xFFFFC000  }
0x9d: {  	[tilespmem:s18], [sflag:$0x1] =	stream.indirect.gather [hbm4b:s2+s21], $0x80, s10, s21, $0xb8;
	[tilespmem:$0x1D000] =	vst v63  }
0x9e: {  	_ =	swait.ge [sflag:s6], $0x4000  }
0x9f: {  	[sflag:s6] =	ssyncset.done $0x0  }
0xa0: {  	[sflag:s6] =	ssyncadd.s32 $0xFFFFC000  }
0xa1: {  	[tilespmem:s26], [sflag:$0x2] =	stream.indirect.gather [hbm4b:s2+s21], $0x80, s11, s21, $0xb8;
	[tilespmem:$0x1D000] =	vst v63  }
0xa2: {  	_ =	swait.ge [sflag:s28], $0x4000  }
0xa3: {  	[sflag:s28] =	ssyncset.done $0x0  }
0xa4: {  	[sflag:s28] =	ssyncadd.s32 $0xFFFFC000  }
0xa5: {  	[spmem:s3] =	stream.indirect.scatter.add.f32 [tilespmem:s18], [sflag:$0x5], $0x80, s12, s21, $0xb8;
	[tilespmem:$0x1D000] =	vst v63  }
0xa6: {  	_ =	swait.ge [sflag:s19], $0x4000  }
0xa7: {  	[sflag:s19] =	ssyncset.done $0x0  }
0xa8: {  	[sflag:s19] =	ssyncadd.s32 $0xFFFFC000  }
0xa9: {  	_ =	swait.ge [sflag:s29], $0x4000  }
0xaa: {  	[sflag:s29] =	ssyncset.done $0x0  }
0xab: {  	[sflag:s29] =	ssyncadd.s32 $0xFFFFC000  }
0xac: {  	[spmem:s3] =	stream.indirect.scatter.add.f32 [tilespmem:s26], [sflag:$0x5], $0x80, s13, s21, $0xb8;
	[tilespmem:$0x1D000] =	vst v63  }
0xad: {  	_ =	swait.ge [sflag:s19], $0x4000  }
0xae: {  	[sflag:s19] =	ssyncset.done $0x0  }
0xaf: {  	[sflag:s19] =	ssyncadd.s32 $0xFFFFC000  }
.LBB2_8:
0xb0: {  	s14 =	stileid.u32;
	[bflag:$0x0] =	sbarrier.arrive $0xFFFF  }
0xb1: {  	s14 =	sshll.u32 s14, $0x6;
	s15 =	rddreg [dreg:$0x6]  }
0xb2: {  	s16 =	rddreg [dreg:$0x9];
	s14 =	sor.u32 $0x1C05, s14;
	s15 =	sshrl.u32 s15, $0x3  }
0xb3: {  	[hbm:s16], [sflag:s14] =	dma.local [spmem:s15], $0x800  }
0xb4: {  	_ =	swait.ge [sflag:s19], $0x800  }
0xb5: {  	[sflag:s19] =	ssyncset.done $0x0;
	s15 =	rddreg [dreg:$0xf]  }
0xb6: {  	s16 =	rddreg [dreg:$0x13];
	[sflag:s19] =	ssyncadd.s32 $0xFFFFF800  }
0xb7: {  	[hbm:s15], [sflag:s14] =	dma.local [spmem:s16], $0x800  }
0xb8: {  	_ =	swait.ge [sflag:s19], $0x800  }
0xb9: {  	[sflag:s19] =	ssyncset.done $0x0;
	s15 =	rddreg [dreg:$0x10]  }
0xba: {  	s16 =	rddreg [dreg:$0x14];
	[sflag:s19] =	ssyncadd.s32 $0xFFFFF800  }
0xbb: {  	[hbm:s15], [sflag:s14] =	dma.local [spmem:s16], $0x800  }
0xbc: {  	_ =	swait.ge [sflag:s19], $0x800  }
0xbd: {  	[sflag:s19] =	ssyncset.done $0x0;
	s15 =	rddreg [dreg:$0x11]  }
0xbe: {  	s16 =	rddreg [dreg:$0x15];
	[sflag:s19] =	ssyncadd.s32 $0xFFFFF800  }
0xbf: {  	[hbm:s15], [sflag:s14] =	dma.local [spmem:s16], $0x800  }
0xc0: {  	_ =	swait.ge [sflag:s19], $0x800  }
0xc1: {  	[sflag:s19] =	ssyncset.done $0x0;
	s15 =	rddreg [dreg:$0x12]  }
0xc2: {  	s16 =	rddreg [dreg:$0x16];
	[sflag:s19] =	ssyncadd.s32 $0xFFFFF800  }
0xc3: {  	[hbm:s15], [sflag:s14] =	dma.local [spmem:s16], $0x800  }
0xc4: {  	_ =	swait.ge [sflag:s19], $0x800  }
0xc5: {  	s14 =	rddreg [dreg:$0x17]  }
0xc6: {  	s16 =	rddreg [dreg:$0xa];
	s15 =	sadd.s32 $0x1, s14  }
0xc7: {  	p1 =	sne.s32 s15, s16  }
.Ltmp1:
0xc8: {  	_ = 	snop;
	(pc) =	sbr.rel @!p1 .LBB2_9-.Ltmp1, $3  }
0xc9: {  	_ =	sdelay $0x1  }
0xca: {  	[sflag:s19] =	ssyncset.done $0x0  }
0xcb: {  	[sflag:s19] =	ssyncadd.s32 $0xFFFFF800;
	s16 =	simm.s32 $0x880;
	s14 =	smov.u32 s15  }
.LBB2_1:
0xcc: {  	[dreg:$0x17] =	wrdreg s14;
	s14 =	simm.s32 $0x0;
	s15 =	simm.s32 $0x200  }
.LBB2_2:
0xcd: {  	p1 =	sne.s32 s15, $0xFE00;
	[tilespmem:s14+$0x1070] =	vst v0  }
0xce: {  	[tilespmem:s14+$0x1000] =	vst v0  }
0xcf: {  	[tilespmem:s14+$0x1010] =	vst v0  }
.Ltmp2:
0xd0: {  	[tilespmem:s14+$0x1020] =	vst v0;
	(pc) =	sbr.rel @p1 .LBB2_2-.Ltmp2, $4  }
0xd1: {  	[tilespmem:s14+$0x1030] =	vst v0  }
0xd2: {  	[tilespmem:s14+$0x1040] =	vst v0  }
0xd3: {  	[tilespmem:s14+$0x1050] =	vst v0  }
0xd4: {  	[tilespmem:s14+$0x1060] =	vst v0;
	s14 =	sshra.s32 s15, $0x2;
	s15 =	sadd.s32 $0x200, s15  }
0xd5: {  	[tilespmem:s14+$0x1070] =	vst v0  }
0xd6: {  	[tilespmem:s14+$0x1000] =	vst v0  }
0xd7: {  	[tilespmem:s14+$0x1010] =	vst v0  }
0xd8: {  	[tilespmem:s14+$0x1020] =	vst v0  }
0xd9: {  	[tilespmem:s14+$0x1030] =	vst v0  }
0xda: {  	[tilespmem:s14+$0x1040] =	vst v0  }
0xdb: {  	[tilespmem:s14+$0x1050] =	vst v0  }
0xdc: {  	[tilespmem:s14+$0x1060] =	vst v0;
	s15 =	rddreg [dreg:$0x6]  }
0xdd: {  	[spmem:s15] =	stream.linear.scatter [tilespmem:s18], [sflag:$0x5], $0x4000, $0x38;
	[tilespmem:$0x1D000] =	vst v63  }
0xde: {  	_ =	swait.ge [sflag:s19], $0x4000  }
0xdf: {  	[sflag:s19] =	ssyncset.done $0x0  }
0xe0: {  	s15 =	rddreg [dreg:$0xb];
	[sflag:s19] =	ssyncadd.s32 $0xFFFFC000  }
0xe1: {  	[spmem:s15] =	stream.linear.scatter [tilespmem:s18], [sflag:$0x5], $0x4000, $0x38;
	[tilespmem:$0x1D000] =	vst v63  }
0xe2: {  	_ =	swait.ge [sflag:s19], $0x4000  }
0xe3: {  	[sflag:s19] =	ssyncset.done $0x0  }
0xe4: {  	s15 =	rddreg [dreg:$0xc];
	[sflag:s19] =	ssyncadd.s32 $0xFFFFC000  }
0xe5: {  	[spmem:s15] =	stream.linear.scatter [tilespmem:s18], [sflag:$0x5], $0x4000, $0x38;
	[tilespmem:$0x1D000] =	vst v63  }
0xe6: {  	_ =	swait.ge [sflag:s19], $0x4000  }
0xe7: {  	[sflag:s19] =	ssyncset.done $0x0  }
0xe8: {  	s15 =	rddreg [dreg:$0xd];
	[sflag:s19] =	ssyncadd.s32 $0xFFFFC000  }
0xe9: {  	[spmem:s15] =	stream.linear.scatter [tilespmem:s18], [sflag:$0x5], $0x4000, $0x38;
	[tilespmem:$0x1D000] =	vst v63  }
0xea: {  	_ =	swait.ge [sflag:s19], $0x4000  }
0xeb: {  	[sflag:s19] =	ssyncset.done $0x0  }
0xec: {  	s15 =	rddreg [dreg:$0xe];
	[sflag:s19] =	ssyncadd.s32 $0xFFFFC000  }
0xed: {  	[spmem:s15] =	stream.linear.scatter [tilespmem:s18], [sflag:$0x5], $0x4000, $0x38;
	[tilespmem:$0x1D000] =	vst v63  }
.Ltmp3:
0xee: {  	_ =	swait.ge [sflag:s19], $0x4000;
	(pc) =	sbr.rel @p0 .LBB2_7-.Ltmp3, $3  }
0xef: {  	[sflag:s19] =	ssyncset.done $0x0  }
0xf0: {  	[sflag:s19] =	ssyncadd.s32 $0xFFFFC000  }
0xf1: {  	[bflag:$0x0] =	sbarrier.arrive $0xFFFF;
	_ =	sdelay $0x1  }
0xf2: {  	s14 =	rddreg [dreg:$0x5]  }
0xf3: {  	s14 =	sadd.s32 $0x0, s14  }
0xf4: {  	[tilespmem:s4], [sflag:$0x5] =	stream.linear.gather [hbm4b:s14+s4], $0x800, $0x38;
	[tilespmem:$0x1D000] =	vst v63  }
0xf5: {  	_ =	swait.ge [sflag:s19], $0x800  }
0xf6: {  	s15 =	rddreg [dreg:$0x4];
	[sflag:s19] =	ssyncset.done $0x0  }
0xf7: {  	[sflag:s19] =	ssyncadd.s32 $0xFFFFF800;
	s14 =	sadd.s32 $0x0, s15  }
0xf8: {  	[tilespmem:s20], [sflag:$0x5] =	stream.linear.gather [hbm4b:s14+s4], $0x800, $0x38;
	[tilespmem:$0x1D000] =	vst v63  }
0xf9: {  	_ =	swait.ge [sflag:s19], $0x800  }
0xfa: {  	[sflag:s19] =	ssyncset.done $0x0  }
0xfb: {  	[sflag:s19] =	ssyncadd.s32 $0xFFFFF800  }
0xfc: {  	[tilespmem:s18], [sflag:$0x1] =	stream.indirect.gather [hbm4b:s2+s21], $0x80, s4, s21, $0xb8;
	[tilespmem:$0x1D000] =	vst v63  }
0xfd: {  	_ = 	snop  }
0xfe: {  	[tilespmem:s26], [sflag:$0x2] =	stream.indirect.gather [hbm4b:s2+s21], $0x80, s21, s21, $0xb8;
	[tilespmem:$0x1D000] =	vst v63  }
0xff: {  	_ =	swait.ge [sflag:s28], $0x4000  }
0x100: {  	[sflag:s28] =	ssyncset.done $0x0  }
0x101: {  	[sflag:s28] =	ssyncadd.s32 $0xFFFFC000  }
0x102: {  	[spmem:s3] =	stream.indirect.scatter.add.f32 [tilespmem:s18], [sflag:$0x3], $0x80, s20, s21, $0xb8;
	[tilespmem:$0x1D000] =	vst v63  }
0x103: {  	_ =	swait.ge [sflag:s29], $0x4000  }
0x104: {  	[sflag:s29] =	ssyncset.done $0x0  }
0x105: {  	[sflag:s29] =	ssyncadd.s32 $0xFFFFC000  }
0x106: {  	[spmem:s3] =	stream.indirect.scatter.add.f32 [tilespmem:s26], [sflag:$0x4], $0x80, s16, s21, $0xb8;
	[tilespmem:$0x1D000] =	vst v63  }
0x107: {  	_ =	swait.ge [sflag:s31], $0x4000  }
0x108: {  	[sflag:s31] =	ssyncset.done $0x0  }
0x109: {  	s15 =	simm.s32 $0x100;
	[sflag:s31] =	ssyncadd.s32 $0xFFFFC000  }
0x10a: {  	[tilespmem:s18], [sflag:$0x1] =	stream.indirect.gather [hbm4b:s2+s21], $0x80, s15, s21, $0xb8;
	[tilespmem:$0x1D000] =	vst v63  }
0x10b: {  	_ =	swait.ge [sflag:s6], $0x4000  }
0x10c: {  	[sflag:s6] =	ssyncset.done $0x0  }
0x10d: {  	s16 =	simm.s32 $0x180;
	[sflag:s6] =	ssyncadd.s32 $0xFFFFC000  }
0x10e: {  	[tilespmem:s26], [sflag:$0x2] =	stream.indirect.gather [hbm4b:s2+s21], $0x80, s16, s21, $0xb8;
	[tilespmem:$0x1D000] =	vst v63  }
0x10f: {  	_ =	swait.ge [sflag:s28], $0x4000  }
0x110: {  	[sflag:s28] =	ssyncset.done $0x0  }
0x111: {  	s15 =	simm.s32 $0x900;
	[sflag:s28] =	ssyncadd.s32 $0xFFFFC000  }
0x112: {  	[spmem:s3] =	stream.indirect.scatter.add.f32 [tilespmem:s18], [sflag:$0x3], $0x80, s15, s21, $0xb8;
	[tilespmem:$0x1D000] =	vst v63  }
0x113: {  	_ =	swait.ge [sflag:s29], $0x4000  }
0x114: {  	[sflag:s29] =	ssyncset.done $0x0  }
0x115: {  	s16 =	simm.s32 $0x980;
	[sflag:s29] =	ssyncadd.s32 $0xFFFFC000  }
0x116: {  	[spmem:s3] =	stream.indirect.scatter.add.f32 [tilespmem:s26], [sflag:$0x4], $0x80, s16, s21, $0xb8;
	[tilespmem:$0x1D000] =	vst v63  }
0x117: {  	_ =	swait.ge [sflag:s31], $0x4000  }
0x118: {  	[sflag:s31] =	ssyncset.done $0x0  }
0x119: {  	s15 =	simm.s32 $0x200;
	[sflag:s31] =	ssyncadd.s32 $0xFFFFC000  }
0x11a: {  	[tilespmem:s18], [sflag:$0x1] =	stream.indirect.gather [hbm4b:s2+s21], $0x80, s15, s21, $0xb8;
	[tilespmem:$0x1D000] =	vst v63  }
0x11b: {  	_ =	swait.ge [sflag:s6], $0x4000  }
0x11c: {  	[sflag:s6] =	ssyncset.done $0x0  }
0x11d: {  	s16 =	simm.s32 $0x280;
	[sflag:s6] =	ssyncadd.s32 $0xFFFFC000  }
0x11e: {  	[tilespmem:s26], [sflag:$0x2] =	stream.indirect.gather [hbm4b:s2+s21], $0x80, s16, s21, $0xb8;
	[tilespmem:$0x1D000] =	vst v63  }
0x11f: {  	_ =	swait.ge [sflag:s28], $0x4000  }
0x120: {  	[sflag:s28] =	ssyncset.done $0x0  }
0x121: {  	s15 =	simm.s32 $0xA00;
	[sflag:s28] =	ssyncadd.s32 $0xFFFFC000  }
0x122: {  	[spmem:s3] =	stream.indirect.scatter.add.f32 [tilespmem:s18], [sflag:$0x3], $0x80, s15, s21, $0xb8;
	[tilespmem:$0x1D000] =	vst v63  }
0x123: {  	_ =	swait.ge [sflag:s29], $0x4000  }
0x124: {  	[sflag:s29] =	ssyncset.done $0x0  }
0x125: {  	s16 =	simm.s32 $0xA80;
	[sflag:s29] =	ssyncadd.s32 $0xFFFFC000  }
0x126: {  	[spmem:s3] =	stream.indirect.scatter.add.f32 [tilespmem:s26], [sflag:$0x4], $0x80, s16, s21, $0xb8;
	[tilespmem:$0x1D000] =	vst v63  }
0x127: {  	_ =	swait.ge [sflag:s31], $0x4000  }
0x128: {  	[sflag:s31] =	ssyncset.done $0x0  }
0x129: {  	s15 =	simm.s32 $0x300;
	[sflag:s31] =	ssyncadd.s32 $0xFFFFC000  }
0x12a: {  	[tilespmem:s18], [sflag:$0x1] =	stream.indirect.gather [hbm4b:s2+s21], $0x80, s15, s21, $0xb8;
	[tilespmem:$0x1D000] =	vst v63  }
0x12b: {  	_ =	swait.ge [sflag:s6], $0x4000  }
0x12c: {  	[sflag:s6] =	ssyncset.done $0x0  }
0x12d: {  	s16 =	simm.s32 $0x380;
	[sflag:s6] =	ssyncadd.s32 $0xFFFFC000  }
0x12e: {  	[tilespmem:s26], [sflag:$0x2] =	stream.indirect.gather [hbm4b:s2+s21], $0x80, s16, s21, $0xb8;
	[tilespmem:$0x1D000] =	vst v63  }
0x12f: {  	_ =	swait.ge [sflag:s28], $0x4000  }
0x130: {  	[sflag:s28] =	ssyncset.done $0x0  }
0x131: {  	s15 =	simm.s32 $0xB00;
	[sflag:s28] =	ssyncadd.s32 $0xFFFFC000  }
0x132: {  	[spmem:s3] =	stream.indirect.scatter.add.f32 [tilespmem:s18], [sflag:$0x3], $0x80, s15, s21, $0xb8;
	[tilespmem:$0x1D000] =	vst v63  }
0x133: {  	_ =	swait.ge [sflag:s29], $0x4000  }
0x134: {  	[sflag:s29] =	ssyncset.done $0x0  }
0x135: {  	s16 =	simm.s32 $0xB80;
	[sflag:s29] =	ssyncadd.s32 $0xFFFFC000  }
0x136: {  	[spmem:s3] =	stream.indirect.scatter.add.f32 [tilespmem:s26], [sflag:$0x4], $0x80, s16, s21, $0xb8;
	[tilespmem:$0x1D000] =	vst v63  }
0x137: {  	_ =	swait.ge [sflag:s31], $0x4000  }
0x138: {  	[sflag:s31] =	ssyncset.done $0x0  }
0x139: {  	[sflag:s31] =	ssyncadd.s32 $0xFFFFC000  }
0x13a: {  	[tilespmem:s18], [sflag:$0x1] =	stream.indirect.gather [hbm4b:s2+s21], $0x80, s17, s21, $0xb8;
	[tilespmem:$0x1D000] =	vst v63  }
0x13b: {  	_ =	swait.ge [sflag:s6], $0x4000  }
0x13c: {  	[sflag:s6] =	ssyncset.done $0x0  }
0x13d: {  	[sflag:s6] =	ssyncadd.s32 $0xFFFFC000  }
0x13e: {  	[tilespmem:s26], [sflag:$0x2] =	stream.indirect.gather [hbm4b:s2+s21], $0x80, s22, s21, $0xb8;
	[tilespmem:$0x1D000] =	vst v63  }
0x13f: {  	_ =	swait.ge [sflag:s28], $0x4000  }
0x140: {  	[sflag:s28] =	ssyncset.done $0x0  }
0x141: {  	[sflag:s28] =	ssyncadd.s32 $0xFFFFC000  }
0x142: {  	[spmem:s3] =	stream.indirect.scatter.add.f32 [tilespmem:s18], [sflag:$0x3], $0x80, s23, s21, $0xb8;
	[tilespmem:$0x1D000] =	vst v63  }
0x143: {  	_ =	swait.ge [sflag:s29], $0x4000  }
0x144: {  	[sflag:s29] =	ssyncset.done $0x0  }
0x145: {  	[sflag:s29] =	ssyncadd.s32 $0xFFFFC000  }
0x146: {  	[spmem:s3] =	stream.indirect.scatter.add.f32 [tilespmem:s26], [sflag:$0x4], $0x80, s24, s21, $0xb8;
	[tilespmem:$0x1D000] =	vst v63  }
0x147: {  	_ =	swait.ge [sflag:s31], $0x4000  }
0x148: {  	[sflag:s31] =	ssyncset.done $0x0  }
0x149: {  	[sflag:s31] =	ssyncadd.s32 $0xFFFFC000  }
0x14a: {  	[tilespmem:s18], [sflag:$0x1] =	stream.indirect.gather [hbm4b:s2+s21], $0x80, s25, s21, $0xb8;
	[tilespmem:$0x1D000] =	vst v63  }
0x14b: {  	_ =	swait.ge [sflag:s6], $0x4000  }
0x14c: {  	[sflag:s6] =	ssyncset.done $0x0  }
0x14d: {  	[sflag:s6] =	ssyncadd.s32 $0xFFFFC000  }
0x14e: {  	[tilespmem:s26], [sflag:$0x2] =	stream.indirect.gather [hbm4b:s2+s21], $0x80, s5, s21, $0xb8;
	[tilespmem:$0x1D000] =	vst v63  }
0x14f: {  	_ =	swait.ge [sflag:s28], $0x4000  }
0x150: {  	[sflag:s28] =	ssyncset.done $0x0  }
0x151: {  	[sflag:s28] =	ssyncadd.s32 $0xFFFFC000  }
0x152: {  	[spmem:s3] =	stream.indirect.scatter.add.f32 [tilespmem:s18], [sflag:$0x3], $0x80, s30, s21, $0xb8;
	[tilespmem:$0x1D000] =	vst v63  }
0x153: {  	_ =	swait.ge [sflag:s29], $0x4000  }
0x154: {  	[sflag:s29] =	ssyncset.done $0x0  }
0x155: {  	[sflag:s29] =	ssyncadd.s32 $0xFFFFC000  }
0x156: {  	[spmem:s3] =	stream.indirect.scatter.add.f32 [tilespmem:s26], [sflag:$0x4], $0x80, s0, s21, $0xb8;
	[tilespmem:$0x1D000] =	vst v63  }
0x157: {  	_ =	swait.ge [sflag:s31], $0x4000  }
0x158: {  	[sflag:s31] =	ssyncset.done $0x0  }
0x159: {  	[sflag:s31] =	ssyncadd.s32 $0xFFFFC000  }
0x15a: {  	[tilespmem:s18], [sflag:$0x1] =	stream.indirect.gather [hbm4b:s2+s21], $0x80, s7, s21, $0xb8;
	[tilespmem:$0x1D000] =	vst v63  }
0x15b: {  	_ =	swait.ge [sflag:s6], $0x4000  }
0x15c: {  	[sflag:s6] =	ssyncset.done $0x0  }
0x15d: {  	[sflag:s6] =	ssyncadd.s32 $0xFFFFC000  }
0x15e: {  	[tilespmem:s26], [sflag:$0x2] =	stream.indirect.gather [hbm4b:s2+s21], $0x80, s1, s21, $0xb8;
	[tilespmem:$0x1D000] =	vst v63  }
0x15f: {  	_ =	swait.ge [sflag:s28], $0x4000  }
0x160: {  	[sflag:s28] =	ssyncset.done $0x0  }
0x161: {  	[sflag:s28] =	ssyncadd.s32 $0xFFFFC000  }
0x162: {  	[spmem:s3] =	stream.indirect.scatter.add.f32 [tilespmem:s18], [sflag:$0x3], $0x80, s8, s21, $0xb8;
	[tilespmem:$0x1D000] =	vst v63  }
0x163: {  	_ =	swait.ge [sflag:s29], $0x4000  }
0x164: {  	[sflag:s29] =	ssyncset.done $0x0  }
0x165: {  	[sflag:s29] =	ssyncadd.s32 $0xFFFFC000  }
0x166: {  	[spmem:s3] =	stream.indirect.scatter.add.f32 [tilespmem:s26], [sflag:$0x4], $0x80, s9, s21, $0xb8;
	[tilespmem:$0x1D000] =	vst v63  }
0x167: {  	_ =	swait.ge [sflag:s31], $0x4000  }
0x168: {  	[sflag:s31] =	ssyncset.done $0x0  }
0x169: {  	[sflag:s31] =	ssyncadd.s32 $0xFFFFC000  }
0x16a: {  	[tilespmem:s18], [sflag:$0x1] =	stream.indirect.gather [hbm4b:s2+s21], $0x80, s10, s21, $0xb8;
	[tilespmem:$0x1D000] =	vst v63  }
0x16b: {  	_ =	swait.ge [sflag:s6], $0x4000  }
0x16c: {  	[sflag:s6] =	ssyncset.done $0x0  }
0x16d: {  	[sflag:s6] =	ssyncadd.s32 $0xFFFFC000  }
0x16e: {  	[tilespmem:s26], [sflag:$0x2] =	stream.indirect.gather [hbm4b:s2+s21], $0x80, s11, s21, $0xb8;
	[tilespmem:$0x1D000] =	vst v63  }
0x16f: {  	_ =	swait.ge [sflag:s28], $0x4000  }
0x170: {  	[sflag:s28] =	ssyncset.done $0x0  }
0x171: {  	[sflag:s28] =	ssyncadd.s32 $0xFFFFC000  }
0x172: {  	[spmem:s3] =	stream.indirect.scatter.add.f32 [tilespmem:s18], [sflag:$0x5], $0x80, s12, s21, $0xb8;
	[tilespmem:$0x1D000] =	vst v63  }
0x173: {  	_ =	swait.ge [sflag:s19], $0x4000  }
0x174: {  	[sflag:s19] =	ssyncset.done $0x0  }
0x175: {  	[sflag:s19] =	ssyncadd.s32 $0xFFFFC000  }
0x176: {  	_ =	swait.ge [sflag:s29], $0x4000  }
0x177: {  	[sflag:s29] =	ssyncset.done $0x0  }
0x178: {  	[sflag:s29] =	ssyncadd.s32 $0xFFFFC000  }
0x179: {  	[spmem:s3] =	stream.indirect.scatter.add.f32 [tilespmem:s26], [sflag:$0x5], $0x80, s13, s21, $0xb8;
	[tilespmem:$0x1D000] =	vst v63  }
0x17a: {  	s14 =	simm.s32 $0x100;
	_ =	swait.ge [sflag:s19], $0x4000  }
.LBB2_5:
0x17b: {  	s15 =	rddreg [dreg:$0x5];
	s16 =	smov.u32 s14;
	[sflag:s19] =	ssyncset.done $0x0  }
0x17c: {  	s15 =	sadd.s32 s16, s15;
	[sflag:s19] =	ssyncadd.s32 $0xFFFFC000  }
0x17d: {  	[tilespmem:s4], [sflag:$0x5] =	stream.linear.gather [hbm4b:s15+s4], $0x800, $0x38;
	[tilespmem:$0x1D000] =	vst v63  }
0x17e: {  	_ =	swait.ge [sflag:s19], $0x800  }
0x17f: {  	s15 =	rddreg [dreg:$0x4];
	[sflag:s19] =	ssyncset.done $0x0  }
0x180: {  	[sflag:s19] =	ssyncadd.s32 $0xFFFFF800;
	s15 =	sadd.s32 s16, s15  }
0x181: {  	[tilespmem:s20], [sflag:$0x5] =	stream.linear.gather [hbm4b:s15+s4], $0x800, $0x38;
	[tilespmem:$0x1D000] =	vst v63  }
0x182: {  	_ =	swait.ge [sflag:s19], $0x800  }
0x183: {  	[sflag:s19] =	ssyncset.done $0x0  }
0x184: {  	[sflag:s19] =	ssyncadd.s32 $0xFFFFF800  }
0x185: {  	[tilespmem:s18], [sflag:$0x1] =	stream.indirect.gather [hbm4b:s2+s21], $0x80, s4, s21, $0xb8;
	[tilespmem:$0x1D000] =	vst v63  }
0x186: {  	_ = 	snop  }
0x187: {  	[tilespmem:s26], [sflag:$0x2] =	stream.indirect.gather [hbm4b:s2+s21], $0x80, s21, s21, $0xb8;
	[tilespmem:$0x1D000] =	vst v63  }
0x188: {  	_ =	swait.ge [sflag:s28], $0x4000  }
0x189: {  	[sflag:s28] =	ssyncset.done $0x0  }
0x18a: {  	[sflag:s28] =	ssyncadd.s32 $0xFFFFC000  }
0x18b: {  	[spmem:s3] =	stream.indirect.scatter.add.f32 [tilespmem:s18], [sflag:$0x3], $0x80, s20, s21, $0xb8;
	[tilespmem:$0x1D000] =	vst v63  }
0x18c: {  	_ =	swait.ge [sflag:s29], $0x4000  }
0x18d: {  	[sflag:s29] =	ssyncset.done $0x0  }
0x18e: {  	s16 =	simm.s32 $0x880;
	[sflag:s29] =	ssyncadd.s32 $0xFFFFC000  }
0x18f: {  	[spmem:s3] =	stream.indirect.scatter.add.f32 [tilespmem:s26], [sflag:$0x4], $0x80, s16, s21, $0xb8;
	[tilespmem:$0x1D000] =	vst v63  }
0x190: {  	_ =	swait.ge [sflag:s31], $0x4000  }
0x191: {  	[sflag:s31] =	ssyncset.done $0x0  }
0x192: {  	s15 =	simm.s32 $0x100;
	[sflag:s31] =	ssyncadd.s32 $0xFFFFC000  }
0x193: {  	[tilespmem:s18], [sflag:$0x1] =	stream.indirect.gather [hbm4b:s2+s21], $0x80, s15, s21, $0xb8;
	[tilespmem:$0x1D000] =	vst v63  }
0x194: {  	_ =	swait.ge [sflag:s6], $0x4000  }
0x195: {  	[sflag:s6] =	ssyncset.done $0x0  }
0x196: {  	s16 =	simm.s32 $0x180;
	[sflag:s6] =	ssyncadd.s32 $0xFFFFC000  }
0x197: {  	[tilespmem:s26], [sflag:$0x2] =	stream.indirect.gather [hbm4b:s2+s21], $0x80, s16, s21, $0xb8;
	[tilespmem:$0x1D000] =	vst v63  }
0x198: {  	_ =	swait.ge [sflag:s28], $0x4000  }
0x199: {  	[sflag:s28] =	ssyncset.done $0x0  }
0x19a: {  	s16 =	simm.s32 $0x900;
	[sflag:s28] =	ssyncadd.s32 $0xFFFFC000  }
0x19b: {  	[spmem:s3] =	stream.indirect.scatter.add.f32 [tilespmem:s18], [sflag:$0x3], $0x80, s16, s21, $0xb8;
	[tilespmem:$0x1D000] =	vst v63  }
0x19c: {  	_ =	swait.ge [sflag:s29], $0x4000  }
0x19d: {  	[sflag:s29] =	ssyncset.done $0x0  }
0x19e: {  	s16 =	simm.s32 $0x980;
	[sflag:s29] =	ssyncadd.s32 $0xFFFFC000  }
0x19f: {  	[spmem:s3] =	stream.indirect.scatter.add.f32 [tilespmem:s26], [sflag:$0x4], $0x80, s16, s21, $0xb8;
	[tilespmem:$0x1D000] =	vst v63  }
0x1a0: {  	_ =	swait.ge [sflag:s31], $0x4000  }
0x1a1: {  	[sflag:s31] =	ssyncset.done $0x0  }
0x1a2: {  	s16 =	simm.s32 $0x200;
	[sflag:s31] =	ssyncadd.s32 $0xFFFFC000  }
0x1a3: {  	[tilespmem:s18], [sflag:$0x1] =	stream.indirect.gather [hbm4b:s2+s21], $0x80, s16, s21, $0xb8;
	[tilespmem:$0x1D000] =	vst v63  }
0x1a4: {  	_ =	swait.ge [sflag:s6], $0x4000  }
0x1a5: {  	[sflag:s6] =	ssyncset.done $0x0  }
0x1a6: {  	s16 =	simm.s32 $0x280;
	[sflag:s6] =	ssyncadd.s32 $0xFFFFC000  }
0x1a7: {  	[tilespmem:s26], [sflag:$0x2] =	stream.indirect.gather [hbm4b:s2+s21], $0x80, s16, s21, $0xb8;
	[tilespmem:$0x1D000] =	vst v63  }
0x1a8: {  	_ =	swait.ge [sflag:s28], $0x4000  }
0x1a9: {  	[sflag:s28] =	ssyncset.done $0x0  }
0x1aa: {  	s16 =	simm.s32 $0xA00;
	[sflag:s28] =	ssyncadd.s32 $0xFFFFC000  }
0x1ab: {  	[spmem:s3] =	stream.indirect.scatter.add.f32 [tilespmem:s18], [sflag:$0x3], $0x80, s16, s21, $0xb8;
	[tilespmem:$0x1D000] =	vst v63  }
0x1ac: {  	_ =	swait.ge [sflag:s29], $0x4000  }
0x1ad: {  	[sflag:s29] =	ssyncset.done $0x0  }
0x1ae: {  	s16 =	simm.s32 $0xA80;
	[sflag:s29] =	ssyncadd.s32 $0xFFFFC000  }
0x1af: {  	[spmem:s3] =	stream.indirect.scatter.add.f32 [tilespmem:s26], [sflag:$0x4], $0x80, s16, s21, $0xb8;
	[tilespmem:$0x1D000] =	vst v63  }
0x1b0: {  	_ =	swait.ge [sflag:s31], $0x4000  }
0x1b1: {  	[sflag:s31] =	ssyncset.done $0x0  }
0x1b2: {  	s16 =	simm.s32 $0x300;
	[sflag:s31] =	ssyncadd.s32 $0xFFFFC000  }
0x1b3: {  	[tilespmem:s18], [sflag:$0x1] =	stream.indirect.gather [hbm4b:s2+s21], $0x80, s16, s21, $0xb8;
	[tilespmem:$0x1D000] =	vst v63  }
0x1b4: {  	_ =	swait.ge [sflag:s6], $0x4000  }
0x1b5: {  	[sflag:s6] =	ssyncset.done $0x0  }
0x1b6: {  	s16 =	simm.s32 $0x380;
	[sflag:s6] =	ssyncadd.s32 $0xFFFFC000  }
0x1b7: {  	[tilespmem:s26], [sflag:$0x2] =	stream.indirect.gather [hbm4b:s2+s21], $0x80, s16, s21, $0xb8;
	[tilespmem:$0x1D000] =	vst v63  }
0x1b8: {  	_ =	swait.ge [sflag:s28], $0x4000  }
0x1b9: {  	[sflag:s28] =	ssyncset.done $0x0  }
0x1ba: {  	s16 =	simm.s32 $0xB00;
	[sflag:s28] =	ssyncadd.s32 $0xFFFFC000  }
0x1bb: {  	[spmem:s3] =	stream.indirect.scatter.add.f32 [tilespmem:s18], [sflag:$0x3], $0x80, s16, s21, $0xb8;
	[tilespmem:$0x1D000] =	vst v63  }
0x1bc: {  	_ =	swait.ge [sflag:s29], $0x4000  }
0x1bd: {  	[sflag:s29] =	ssyncset.done $0x0  }
0x1be: {  	s16 =	simm.s32 $0xB80;
	[sflag:s29] =	ssyncadd.s32 $0xFFFFC000  }
0x1bf: {  	[spmem:s3] =	stream.indirect.scatter.add.f32 [tilespmem:s26], [sflag:$0x4], $0x80, s16, s21, $0xb8;
	[tilespmem:$0x1D000] =	vst v63  }
0x1c0: {  	_ =	swait.ge [sflag:s31], $0x4000  }
0x1c1: {  	[sflag:s31] =	ssyncset.done $0x0  }
0x1c2: {  	[sflag:s31] =	ssyncadd.s32 $0xFFFFC000  }
0x1c3: {  	[tilespmem:s18], [sflag:$0x1] =	stream.indirect.gather [hbm4b:s2+s21], $0x80, s17, s21, $0xb8;
	[tilespmem:$0x1D000] =	vst v63  }
0x1c4: {  	_ =	swait.ge [sflag:s6], $0x4000  }
0x1c5: {  	[sflag:s6] =	ssyncset.done $0x0  }
0x1c6: {  	[sflag:s6] =	ssyncadd.s32 $0xFFFFC000  }
0x1c7: {  	[tilespmem:s26], [sflag:$0x2] =	stream.indirect.gather [hbm4b:s2+s21], $0x80, s22, s21, $0xb8;
	[tilespmem:$0x1D000] =	vst v63  }
0x1c8: {  	_ =	swait.ge [sflag:s28], $0x4000  }
0x1c9: {  	[sflag:s28] =	ssyncset.done $0x0  }
0x1ca: {  	[sflag:s28] =	ssyncadd.s32 $0xFFFFC000  }
0x1cb: {  	[spmem:s3] =	stream.indirect.scatter.add.f32 [tilespmem:s18], [sflag:$0x3], $0x80, s23, s21, $0xb8;
	[tilespmem:$0x1D000] =	vst v63  }
0x1cc: {  	_ =	swait.ge [sflag:s29], $0x4000  }
0x1cd: {  	[sflag:s29] =	ssyncset.done $0x0  }
0x1ce: {  	[sflag:s29] =	ssyncadd.s32 $0xFFFFC000  }
0x1cf: {  	[spmem:s3] =	stream.indirect.scatter.add.f32 [tilespmem:s26], [sflag:$0x4], $0x80, s24, s21, $0xb8;
	[tilespmem:$0x1D000] =	vst v63  }
0x1d0: {  	_ =	swait.ge [sflag:s31], $0x4000  }
0x1d1: {  	[sflag:s31] =	ssyncset.done $0x0  }
0x1d2: {  	[sflag:s31] =	ssyncadd.s32 $0xFFFFC000  }
0x1d3: {  	[tilespmem:s18], [sflag:$0x1] =	stream.indirect.gather [hbm4b:s2+s21], $0x80, s25, s21, $0xb8;
	[tilespmem:$0x1D000] =	vst v63  }
0x1d4: {  	_ =	swait.ge [sflag:s6], $0x4000  }
0x1d5: {  	[sflag:s6] =	ssyncset.done $0x0  }
0x1d6: {  	[sflag:s6] =	ssyncadd.s32 $0xFFFFC000  }
0x1d7: {  	[tilespmem:s26], [sflag:$0x2] =	stream.indirect.gather [hbm4b:s2+s21], $0x80, s5, s21, $0xb8;
	[tilespmem:$0x1D000] =	vst v63  }
0x1d8: {  	_ =	swait.ge [sflag:s28], $0x4000  }
0x1d9: {  	[sflag:s28] =	ssyncset.done $0x0  }
0x1da: {  	[sflag:s28] =	ssyncadd.s32 $0xFFFFC000  }
0x1db: {  	[spmem:s3] =	stream.indirect.scatter.add.f32 [tilespmem:s18], [sflag:$0x3], $0x80, s30, s21, $0xb8;
	[tilespmem:$0x1D000] =	vst v63  }
0x1dc: {  	_ =	swait.ge [sflag:s29], $0x4000  }
0x1dd: {  	[sflag:s29] =	ssyncset.done $0x0  }
0x1de: {  	[sflag:s29] =	ssyncadd.s32 $0xFFFFC000  }
0x1df: {  	[spmem:s3] =	stream.indirect.scatter.add.f32 [tilespmem:s26], [sflag:$0x4], $0x80, s0, s21, $0xb8;
	[tilespmem:$0x1D000] =	vst v63  }
0x1e0: {  	_ =	swait.ge [sflag:s31], $0x4000  }
0x1e1: {  	[sflag:s31] =	ssyncset.done $0x0  }
0x1e2: {  	[sflag:s31] =	ssyncadd.s32 $0xFFFFC000  }
0x1e3: {  	[tilespmem:s18], [sflag:$0x1] =	stream.indirect.gather [hbm4b:s2+s21], $0x80, s7, s21, $0xb8;
	[tilespmem:$0x1D000] =	vst v63  }
0x1e4: {  	_ =	swait.ge [sflag:s6], $0x4000  }
0x1e5: {  	[sflag:s6] =	ssyncset.done $0x0  }
0x1e6: {  	[sflag:s6] =	ssyncadd.s32 $0xFFFFC000  }
0x1e7: {  	[tilespmem:s26], [sflag:$0x2] =	stream.indirect.gather [hbm4b:s2+s21], $0x80, s1, s21, $0xb8;
	[tilespmem:$0x1D000] =	vst v63  }
0x1e8: {  	_ =	swait.ge [sflag:s28], $0x4000  }
0x1e9: {  	[sflag:s28] =	ssyncset.done $0x0  }
0x1ea: {  	[sflag:s28] =	ssyncadd.s32 $0xFFFFC000  }
0x1eb: {  	[spmem:s3] =	stream.indirect.scatter.add.f32 [tilespmem:s18], [sflag:$0x3], $0x80, s8, s21, $0xb8;
	[tilespmem:$0x1D000] =	vst v63  }
0x1ec: {  	_ =	swait.ge [sflag:s29], $0x4000  }
0x1ed: {  	[sflag:s29] =	ssyncset.done $0x0  }
0x1ee: {  	[sflag:s29] =	ssyncadd.s32 $0xFFFFC000  }
0x1ef: {  	[spmem:s3] =	stream.indirect.scatter.add.f32 [tilespmem:s26], [sflag:$0x4], $0x80, s9, s21, $0xb8;
	[tilespmem:$0x1D000] =	vst v63  }
0x1f0: {  	_ =	swait.ge [sflag:s31], $0x4000  }
0x1f1: {  	[sflag:s31] =	ssyncset.done $0x0  }
0x1f2: {  	[sflag:s31] =	ssyncadd.s32 $0xFFFFC000  }
0x1f3: {  	[tilespmem:s18], [sflag:$0x1] =	stream.indirect.gather [hbm4b:s2+s21], $0x80, s10, s21, $0xb8;
	[tilespmem:$0x1D000] =	vst v63  }
0x1f4: {  	_ =	swait.ge [sflag:s6], $0x4000  }
0x1f5: {  	[sflag:s6] =	ssyncset.done $0x0  }
0x1f6: {  	[sflag:s6] =	ssyncadd.s32 $0xFFFFC000  }
0x1f7: {  	[tilespmem:s26], [sflag:$0x2] =	stream.indirect.gather [hbm4b:s2+s21], $0x80, s11, s21, $0xb8;
	[tilespmem:$0x1D000] =	vst v63  }
0x1f8: {  	_ =	swait.ge [sflag:s28], $0x4000  }
0x1f9: {  	[sflag:s28] =	ssyncset.done $0x0  }
0x1fa: {  	[sflag:s28] =	ssyncadd.s32 $0xFFFFC000  }
0x1fb: {  	[spmem:s3] =	stream.indirect.scatter.add.f32 [tilespmem:s18], [sflag:$0x5], $0x80, s12, s21, $0xb8;
	[tilespmem:$0x1D000] =	vst v63  }
0x1fc: {  	_ =	swait.ge [sflag:s19], $0x4000  }
0x1fd: {  	[sflag:s19] =	ssyncset.done $0x0  }
0x1fe: {  	p1 =	seq.s32 s14, $0x800;
	[sflag:s19] =	ssyncadd.s32 $0xFFFFC000  }
.Ltmp4:
0x1ff: {  	_ =	swait.ge [sflag:s29], $0x4000;
	(pc) =	sbr.rel @!p1 .LBB2_5-.Ltmp4, $4  }
0x200: {  	[sflag:s29] =	ssyncset.done $0x0  }
0x201: {  	[sflag:s29] =	ssyncadd.s32 $0xFFFFC000  }
0x202: {  	[spmem:s3] =	stream.indirect.scatter.add.f32 [tilespmem:s26], [sflag:$0x5], $0x80, s13, s21, $0xb8;
	[tilespmem:$0x1D000] =	vst v63  }
0x203: {  	s14 =	sadd.s32 $0x100, s14;
	_ =	swait.ge [sflag:s19], $0x4000  }
.Ltmp5:
0x204: {  	(pc) =	sbr.rel .LBB2_8-.Ltmp5, $3  }
0x205: {  	_ =	sdelay $0x1  }
0x206: {  	[sflag:s19] =	ssyncset.done $0x0  }
0x207: {  	[sflag:s19] =	ssyncadd.s32 $0xFFFFC000  }
.LBB2_9:
0x208: {  	_ =	sfence.sel $0x180000  }
0x209: {  	[bflag:$0x0] =	sbarrier.arrive $0xFFFF  }
0x20a: {  	_ =	strace $0x9000004A  }
0x20b: {  	s0 =	stileid.u32;
	[bflag:$0x2] =	sbarrier.arrive $0xFFFF  }
0x20c: {  	p0 =	sne.s32 s0, $0x0;
	s0 =	rddreg [dreg:$0x3]  }
0x20d: {  	s0 =	sadd.s32 @!p0 $0x100000, s0  }
0x20e: {  	[sflag:s0] =	ssyncadd.tile.s32 @!p0 $0x1;
	_ =	shalt  }
.Lfunc_end2:
_tile_overlayer_lowered:
.L_overlay_start_2:
0x20f: {  	(tag) =	ssettag $0x2  }
0x210: {  	s0 =	rddreg [dreg:$0x0];
	s2 =	stileid.u32  }
0x211: {  	s1 =	rddreg [dreg:$0x1];
	p0 =	sne.s32 s2, $0x0  }
0x212: {  	s3 =	rddreg [dreg:$0x2];
	[bflag:$0x3] =	sbarrier.arrive $0xFFFF;
	s2 =	simm.s32 @!p0 $0x1C05  }
0x213: {  	[timem:s3], [sflag:s2] =	dma.local @!p0 [hbm:s0], s1  }
0x214: {  	s0 =	simm.s32 @!p0 $0x5  }
0x215: {  	_ =	swait.ge @!p0 [sflag:s0], s1  }
0x216: {  	s1 =	ssub.s32 @!p0 $0x0, s1;
	[sflag:s0] =	ssyncset.done @!p0 $0x0  }
0x217: {  	[sflag:s0] =	ssyncadd.s32 @!p0 s1  }
0x218: {  	[bflag:$0x3] =	sbarrier.arrive $0xFFFF  }
0x219: {  	_ =	shalt  }

</sc_bundles>
